<compile_context>
chip_gen: v7x
topology: tpu7x:2x2x1
jax: 0.10.2.dev20260603
libtpu: 0.0.44.dev20260713+nightly
codegen_flags: <defaults>
</compile_context>

<pallas_src>
import functools

import jax
import jax.numpy as jnp
from jax import lax
from jax.experimental import pallas as pl
from jax.experimental.pallas import tpu as pltpu
from jax.experimental.pallas import tpu_sc as plsc

N = 10000
E = 320000
D = 128

NC = 2
NS = 16
NW = NC * NS
EP = E // NW
CH = 80
NCHUNK = EP // CH
NRCH = N // CH

RB = 2000


def _artanh(x):
    return 0.5 * (jnp.log1p(x) - jnp.log1p(-x))



def _pre_body(c_ref, x_ref, wt_ref, b_ref, o_ref):
    c = jnp.abs(c_ref[0])
    sqrt_c = jnp.sqrt(c)
    x = x_ref[...]
    norm = jnp.sqrt(jnp.sum(x * x, axis=1, keepdims=True))
    norm = jnp.clip(norm, 1e-15, None)
    arg = jnp.clip(sqrt_c * norm, -1.0 + 1e-5, 1.0 - 1e-5)
    tan = _artanh(arg) * x / (sqrt_c * norm)
    o_ref[...] = (
        jnp.dot(tan, wt_ref[...], preferred_element_type=jnp.float32)
        + b_ref[...]
    )


def _pre(emb, wt, b2, cval):
    return pl.pallas_call(
        _pre_body,
        grid=(N // RB,),
        in_specs=[
            pl.BlockSpec(memory_space=pltpu.SMEM),
            pl.BlockSpec((RB, D), lambda i: (i, 0)),
            pl.BlockSpec((D, D), lambda i: (0, 0)),
            pl.BlockSpec((1, D), lambda i: (0, 0)),
        ],
        out_specs=pl.BlockSpec((RB, D), lambda i: (i, 0)),
        out_shape=jax.ShapeDtypeStruct((N, D), jnp.float32),
    )(cval, emb, wt, b2)



def _sc_body(trans_hbm, src_hbm, dst_hbm, sums_hbm, cnt_hbm,
             src_all, stage, rows2, ones_v, acc_sh, cnt_sh,
             gsem0, gsem1, gsem2, ssem0, ssem1, ssem2):
    cid = lax.axis_index("c")
    sid = lax.axis_index("s")
    wid = cid * NS + sid

    pltpu.sync_copy(src_hbm.at[pl.ds(wid * EP, EP)], src_all)

    z16 = jnp.zeros((16,), jnp.float32)

    def zr(i, _):
        def zc(j, _):
            rows2[0, i, pl.ds(j * 16, 16)] = z16
            return 0
        return lax.fori_loop(0, D // 16, zc, 0)
    lax.fori_loop(0, CH, zr, 0)

    def zo(i, _):
        ones_v[pl.ds(i * 16, 16)] = z16
        return 0
    lax.fori_loop(0, CH // 16, zo, 0)

    nmine = (NRCH - sid + NS - 1) // NS

    def zacc(k, _):
        r = (sid + k * NS) * CH
        pltpu.sync_copy(rows2.at[0], acc_sh.at[pl.ds(r, CH)])
        pltpu.sync_copy(ones_v, cnt_sh.at[pl.ds(r, CH)])
        return 0
    lax.fori_loop(0, nmine, zacc, 0)

    o16 = jnp.ones((16,), jnp.float32)
    def fo(i, _):
        ones_v[pl.ds(i * 16, 16)] = o16
        return 0
    lax.fori_loop(0, CH // 16, fo, 0)

    plsc.subcore_barrier()

    def gslice(a):
        return src_all.at[pl.ds(a * CH, CH)]

    def dslice(a):
        return dst_hbm.at[pl.ds(wid * EP + a * CH, CH)]

    gsems = (gsem0, gsem1, gsem2)
    ssems = (ssem0, ssem1, ssem2)

    def g_issue(a, b):
        pltpu.async_copy(trans_hbm.at[gslice(a)], rows2.at[b], gsems[b])
        pltpu.async_copy(dslice(a), stage.at[b], gsems[b])

    def g_wait(a, b):
        pltpu.make_async_copy(
            trans_hbm.at[gslice(a)], rows2.at[b], gsems[b]).wait()
        pltpu.make_async_copy(dslice(a), stage.at[b], gsems[b]).wait()

    def s_issue(a, b):
        pltpu.async_copy(rows2.at[b], acc_sh.at[stage.at[b]], ssems[b],
                         add=True)
        pltpu.async_copy(ones_v, cnt_sh.at[stage.at[b]], ssems[b], add=True)

    def s_wait(a, b):
        pltpu.make_async_copy(rows2.at[b], acc_sh.at[stage.at[b]],
                              ssems[b]).wait()
        pltpu.make_async_copy(ones_v, cnt_sh.at[stage.at[b]],
                              ssems[b]).wait()

    g_issue(0, 0)
    g_issue(1, 1)
    g_wait(0, 0)
    s_issue(0, 0)
    g_issue(2, 2)
    g_wait(1, 1)
    s_wait(0, 0)
    g_issue(3, 0)
    s_issue(1, 1)
    g_wait(2, 2)
    s_wait(1, 1)
    g_issue(4, 1)
    s_issue(2, 2)

    def pipe(p, _):
        c = 3 * p
        s_wait(c - 1, 2)
        g_issue(c + 2, 2)
        g_wait(c, 0)
        s_issue(c, 0)
        g_wait(c + 1, 1)
        s_wait(c, 0)
        g_issue(c + 3, 0)
        s_issue(c + 1, 1)
        g_wait(c + 2, 2)
        s_issue(c + 2, 2)
        s_wait(c + 1, 1)
        g_issue(c + 4, 1)
        return 0
    lax.fori_loop(1, (NCHUNK - 2) // 3, pipe, 0)

    last = NCHUNK - 1
    s_wait(last - 3, 2)
    g_wait(last - 1, 0)
    s_issue(last - 1, 0)
    g_wait(last, 1)
    s_wait(last - 1, 0)
    s_issue(last, 1)
    s_wait(last, 1)

    plsc.subcore_barrier()

    def wacc(k, _):
        r = (sid + k * NS) * CH
        pltpu.sync_copy(acc_sh.at[pl.ds(r, CH)], sums_hbm.at[cid, pl.ds(r, CH)])
        pltpu.sync_copy(cnt_sh.at[pl.ds(r, CH)], ones_v)
        pltpu.sync_copy(ones_v, cnt_hbm.at[pl.ds(cid * N + r, CH)])
        return 0
    lax.fori_loop(0, nmine, wacc, 0)


_sc_agg = pl.kernel(
    _sc_body,
    out_type=[
        jax.ShapeDtypeStruct((NC, N, D), jnp.float32),
        jax.ShapeDtypeStruct((NC * N,), jnp.float32),
    ],
    mesh=plsc.VectorSubcoreMesh(
        core_axis_name="c", subcore_axis_name="s",
        num_cores=NC, num_subcores=NS),
    scratch_types=[
        pltpu.VMEM((EP,), jnp.int32),
        pltpu.VMEM((3, CH), jnp.int32),
        pltpu.VMEM((3, CH, D), jnp.float32),
        pltpu.VMEM((CH,), jnp.float32),
        pltpu.VMEM_SHARED((N, D), jnp.float32),
        pltpu.VMEM_SHARED((N,), jnp.float32),
        pltpu.SemaphoreType.DMA,
        pltpu.SemaphoreType.DMA,
        pltpu.SemaphoreType.DMA,
        pltpu.SemaphoreType.DMA,
        pltpu.SemaphoreType.DMA,
        pltpu.SemaphoreType.DMA,
    ],
)



RBB = 2048
NPAD = 10240


def _post_body(c_ref, s_ref, n_ref, o_ref):
    c = jnp.abs(c_ref[0])
    sqrt_c = jnp.sqrt(c)
    s = s_ref[0] + s_ref[1]
    i = pl.program_id(0)
    cnt = (n_ref[0, pl.ds(i * RBB, RBB)] + n_ref[1, pl.ds(i * RBB, RBB)])[:, None]
    neigh = jnp.where(cnt > 0, s / jnp.clip(cnt, 1.0, None), 0.0)
    norm = jnp.sqrt(jnp.sum(neigh * neigh, axis=1, keepdims=True))
    norm = jnp.clip(norm, 1e-15, None)
    o_ref[...] = jnp.tanh(sqrt_c * norm) * neigh / (sqrt_c * norm)


def _post(sums, cnts, cval):
    cnts_p = jnp.concatenate(
        [cnts, jnp.zeros((NC, NPAD - N), jnp.float32)], axis=1)
    return pl.pallas_call(
        _post_body,
        grid=((N + RBB - 1) // RBB,),
        in_specs=[
            pl.BlockSpec(memory_space=pltpu.SMEM),
            pl.BlockSpec((NC, RBB, D), lambda i: (0, i, 0)),
            pl.BlockSpec((NC, NPAD), lambda i: (0, 0)),
        ],
        out_specs=pl.BlockSpec((RBB, D), lambda i: (i, 0)),
        out_shape=jax.ShapeDtypeStruct((N, D), jnp.float32),
    )(cval, sums, cnts_p)


def kernel(edge_index, node_embeddings, W, b, curvature):
    cval = jnp.abs(curvature).astype(jnp.float32)
    wt = W.T
    b2 = b.reshape(1, D)
    transformed = _pre(node_embeddings, wt, b2, cval)
    sums, cnts = _sc_agg(transformed, edge_index[0], edge_index[1])
    return _post(sums, cnts.reshape(NC, N), cval)

# --- scband reference (transcript-rebuilt; emitter-appended) ---
"""Pipeline reference for scband-hgwave-net-30124900614689 (READ-ONLY COPY).

The authoritative reference and input builder live on the scoring server;
editing this copy changes nothing except your own understanding.
"""

import jax, jax.numpy as jnp
import numpy as np

N = 10000
E = 320000
D = 128

def artanh(x):
    return 0.5 * (jnp.log1p(x) - jnp.log1p(-x))

def logmap0(x, c):
    sqrt_c = jnp.sqrt(c)
    norm = jnp.clip(jnp.linalg.norm(x, axis=-1, keepdims=True), 1e-15, None)
    arg = jnp.clip(sqrt_c * norm, -1.0 + 1e-5, 1.0 - 1e-5)
    return artanh(arg) * x / (sqrt_c * norm)

def expmap0(v, c):
    sqrt_c = jnp.sqrt(c)
    norm = jnp.clip(jnp.linalg.norm(v, axis=-1, keepdims=True), 1e-15, None)
    return jnp.tanh(sqrt_c * norm) * v / (sqrt_c * norm)

def setup_inputs(seed: int = 0) -> dict:
    key = jax.random.key(seed)
    k1, k2, k3 = jax.random.split(key, 3)
    edge_index = jax.random.randint(k1, (2, E), 0, N, dtype=jnp.int32)
    # learned parameters per init_kwargs
    node_embeddings = jax.random.normal(k2, (N, D), dtype=jnp.float32) * 1e-3  # inside Poincare ball
    W = jax.random.normal(k3, (D, D), dtype=jnp.float32) * (1.0 / np.sqrt(D))
    b = jnp.zeros((D,), dtype=jnp.float32)
    curvature = jnp.array([-1.0], dtype=jnp.float32)
    return {"edge_index": edge_index, "node_embeddings": node_embeddings, "W": W, "b": b, "curvature": curvature}

def reference(edge_index, node_embeddings, W, b, curvature):
    # HGWaveNet.forward with empty history: updated_emb = hdgc(graph, node_embeddings, poincare)
    c = jnp.abs(curvature)[0]
    # logmap at origin
    tangent_x = logmap0(node_embeddings, c)
    # linear transform in tangent space
    transformed_x = tangent_x @ W.T + b
    # message passing: copy_u('h','m') + mean('m','neigh')  (mean over in-edges by dst)
    src = edge_index[0]
    dst = edge_index[1]
    msgs = jnp.take(transformed_x, src, axis=0)
    sums = jax.ops.segment_sum(msgs, dst, num_segments=N)
    cnt = jax.ops.segment_sum(jnp.ones((E,), dtype=transformed_x.dtype), dst, num_segments=N)
    cnt = cnt[:, None]
    neigh_x = jnp.where(cnt > 0, sums / jnp.clip(cnt, 1.0, None), 0.0)
    # expmap at origin
    new_x = expmap0(neigh_x, c)
    return new_x

if __name__ == "__main__":
    import jax
    _d = setup_inputs()
    print(jax.jit(kernel)(*tuple(_d.values())))

</pallas_src>

<mosaic_0001>
#map = affine_map<(d0, d1) -> (0, 0)>
#map1 = affine_map<(d0, d1) -> (0)>
#map2 = affine_map<(d0, d1) -> (0, 0, 0)>
module attributes {stable_mosaic.version = 14 : i64} {
  func.func @_sc_body(%arg0: i32, %arg1: i32, %arg2: memref<10000x128xf32, #tpu.memory_space<hbm>>, %arg3: memref<320000xi32, #tpu.memory_space<hbm>>, %arg4: memref<320000xi32, #tpu.memory_space<hbm>>, %arg5: memref<2x10000x128xf32, #tpu.memory_space<hbm>>, %arg6: memref<20000xf32, #tpu.memory_space<hbm>>, %arg7: memref<10000xi32, #tpu.memory_space<vmem>>, %arg8: memref<3x80xi32, #tpu.memory_space<vmem>>, %arg9: memref<3x80x128xf32, #tpu.memory_space<vmem>>, %arg10: memref<80xf32, #tpu.memory_space<vmem>>, %arg11: memref<10000x128xf32, #tpu.memory_space<vmem_shared>>, %arg12: memref<10000xf32, #tpu.memory_space<vmem_shared>>, %arg13: memref<!tpu.dma_semaphore, #tpu.memory_space<semaphore_mem>>, %arg14: memref<!tpu.dma_semaphore, #tpu.memory_space<semaphore_mem>>, %arg15: memref<!tpu.dma_semaphore, #tpu.memory_space<semaphore_mem>>, %arg16: memref<!tpu.dma_semaphore, #tpu.memory_space<semaphore_mem>>, %arg17: memref<!tpu.dma_semaphore, #tpu.memory_space<semaphore_mem>>, %arg18: memref<!tpu.dma_semaphore, #tpu.memory_space<semaphore_mem>>) attributes {dimension_semantics = [#tpu.dimension_semantics<core_parallel>, #tpu.dimension_semantics<subcore_parallel>], iteration_bounds = array<i64: 2, 16>, scalar_prefetch = 0 : i64, scratch_operands = 12 : i64, tpu.core_type = #tpu.core_type<sc_vector_subcore>, window_params = [{transform_indices = #map}, {transform_indices = #map1}, {transform_indices = #map1}, {transform_indices = #map2}, {transform_indices = #map1}]} {
    %mul3A = arith.constant 16 : i32
    %mul3A_0 = arith.muli %arg0, %mul3A : i32
    %add3A = arith.addi %mul3A_0, %arg1 : i32
    %mul3A_1 = arith.constant 10000 : i32
    %mul3A_2 = arith.muli %add3A, %mul3A_1 : i32
    "tpu.region"() ({
      %run_scoped3A = tpu.sem_alloc : memref<!tpu.dma_semaphore, #tpu.memory_space<semaphore_mem>>
      %dma_start3A_487 = tpu.memref_slice %arg3[%mul3A_2] : memref<320000xi32, #tpu.memory_space<hbm>> -> memref<10000xi32, #tpu.memory_space<hbm>>
      %dma_start3A_488 = tpu.memref_slice %arg3[%mul3A_2] : memref<320000xi32, #tpu.memory_space<hbm>> -> memref<10000xi32, #tpu.memory_space<hbm>>
      tpu.enqueue_dma source(%dma_start3A_488 : memref<10000xi32, #tpu.memory_space<hbm>>) target(%arg7 : memref<10000xi32, #tpu.memory_space<vmem>>) target_semaphore(%run_scoped3A : memref<!tpu.dma_semaphore, #tpu.memory_space<semaphore_mem>>)
      %dma_wait3A_489 = tpu.memref_slice %arg3[%mul3A_2] : memref<320000xi32, #tpu.memory_space<hbm>> -> memref<10000xi32, #tpu.memory_space<hbm>>
      %dma_wait3A_490 = tpu.memref_slice %arg3[%mul3A_2] : memref<320000xi32, #tpu.memory_space<hbm>> -> memref<10000xi32, #tpu.memory_space<hbm>>
      tpu.wait_dma2 semaphore(%run_scoped3A : memref<!tpu.dma_semaphore, #tpu.memory_space<semaphore_mem>>) src(%dma_wait3A_490 : memref<10000xi32, #tpu.memory_space<hbm>>) dst(%arg7 : memref<10000xi32, #tpu.memory_space<vmem>>)
      tpu.yield
    }) : () -> ()
    %broadcast_in_dim3A = arith.constant 0.000000e+00 : f32
    %broadcast_in_dim3A_3 = vector.broadcast %broadcast_in_dim3A : f32 to vector<16xf32>
    %scan3A = arith.constant 0 : i32
    %scan3A_4 = arith.constant 0 : i32
    %scan3A_5 = arith.constant 80 : i32
    %scan3A_6 = arith.addi %scan3A_4, %scan3A_5 : i32
    %scan3A_7 = arith.constant 1 : i32
    %scan3A_8 = scf.for %scan3A_487 = %scan3A_4 to %scan3A_6 step %scan3A_7 iter_args(%scan3A_488 = %scan3A) -> (i32)  : i32 {
      %scan3A_489 = arith.constant 0 : i32
      %scan3A_490 = arith.constant 0 : i32
      %scan3A_491 = arith.constant 8 : i32
      %scan3A_492 = arith.addi %scan3A_490, %scan3A_491 : i32
      %scan3A_493 = arith.constant 1 : i32
      %scan3A_494 = scf.for %scan3A_496 = %scan3A_490 to %scan3A_492 step %scan3A_493 iter_args(%scan3A_497 = %scan3A_489) -> (i32)  : i32 {
        %mul3A_498 = arith.constant 16 : i32
        %mul3A_499 = arith.muli %scan3A_496, %mul3A_498 : i32
        %swap3A = arith.constant 0 : i32
        %swap3A_500 = arith.index_cast %swap3A : i32 to index
        %swap3A_501 = arith.index_cast %scan3A_487 : i32 to index
        %swap3A_502 = arith.index_cast %mul3A_499 : i32 to index
        %swap3A_503 = tpu.vector_load %arg9[%swap3A_500, %swap3A_501, %swap3A_502] {strides = array<i32>} : memref<3x80x128xf32, #tpu.memory_space<vmem>>, vector<1x1x16xf32>,
        %swap3A_504 = vector.shape_cast %swap3A_503 : vector<1x1x16xf32> to vector<16xf32>
        %swap3A_505 = vector.shape_cast %broadcast_in_dim3A_3 : vector<16xf32> to vector<1x1x16xf32>
        tpu.vector_store %arg9[%swap3A_500, %swap3A_501, %swap3A_502], %swap3A_505 {strides = array<i32>} : memref<3x80x128xf32, #tpu.memory_space<vmem>>, vector<1x1x16xf32>,
        %scan3A_506 = arith.constant 0 : i32
        scf.yield %scan3A_506 : i32
      }
      %scan3A_495 = arith.constant 8 : i32
      scf.yield %scan3A_494 : i32
    }
    %scan3A_9 = arith.constant 80 : i32
    %scan3A_10 = arith.constant 0 : i32
    %scan3A_11 = arith.constant 0 : i32
    %scan3A_12 = arith.constant 5 : i32
    %scan3A_13 = arith.addi %scan3A_11, %scan3A_12 : i32
    %scan3A_14 = arith.constant 1 : i32
    %scan3A_15 = scf.for %scan3A_487 = %scan3A_11 to %scan3A_13 step %scan3A_14 iter_args(%scan3A_488 = %scan3A_10) -> (i32)  : i32 {
      %mul3A_489 = arith.constant 16 : i32
      %mul3A_490 = arith.muli %scan3A_487, %mul3A_489 : i32
      %swap3A = arith.index_cast %mul3A_490 : i32 to index
      %swap3A_491 = tpu.vector_load %arg10[%swap3A] {strides = array<i32>} : memref<80xf32, #tpu.memory_space<vmem>>, vector<16xf32>,
      %swap3A_492 = vector.shape_cast %swap3A_491 : vector<16xf32> to vector<16xf32>
      %swap3A_493 = vector.shape_cast %broadcast_in_dim3A_3 : vector<16xf32> to vector<16xf32>
      tpu.vector_store %arg10[%swap3A], %swap3A_493 {strides = array<i32>} : memref<80xf32, #tpu.memory_space<vmem>>, vector<16xf32>,
      %scan3A_494 = arith.constant 0 : i32
      scf.yield %scan3A_494 : i32
    }
    %scan3A_16 = arith.constant 5 : i32
    %sub3A = arith.constant 125 : i32
    %sub3A_17 = arith.subi %sub3A, %arg1 : i32
    %add3A_18 = arith.constant 16 : i32
    %add3A_19 = arith.addi %sub3A_17, %add3A_18 : i32
    %sub3A_20 = arith.constant 1 : i32
    %sub3A_21 = arith.subi %add3A_19, %sub3A_20 : i32
    %jit3A = arith.constant 16 : i32
    %div3A = arith.divsi %sub3A_21, %jit3A : i32
    %sign3A = arith.constant 0 : i32
    %sign3A_22 = arith.cmpi sgt, %sub3A_21, %sign3A : i32
    %sign3A_23 = arith.extui %sign3A_22 : i1 to i32
    %sign3A_24 = arith.constant 0 : i32
    %sign3A_25 = arith.cmpi slt, %sub3A_21, %sign3A_24 : i32
    %sign3A_26 = arith.extui %sign3A_25 : i1 to i32
    %sign3A_27 = arith.subi %sign3A_23, %sign3A_26 : i32
    %sign3A_28 = arith.constant 0 : i32
    %sign3A_29 = arith.cmpi sgt, %jit3A, %sign3A_28 : i32
    %sign3A_30 = arith.extui %sign3A_29 : i1 to i32
    %sign3A_31 = arith.constant 0 : i32
    %sign3A_32 = arith.cmpi slt, %jit3A, %sign3A_31 : i32
    %sign3A_33 = arith.extui %sign3A_32 : i1 to i32
    %sign3A_34 = arith.subi %sign3A_30, %sign3A_33 : i32
    %ne3A = arith.cmpi ne, %sign3A_27, %sign3A_34 : i32
    %rem3A = arith.remsi %sub3A_21, %jit3A : i32
    %ne3A_35 = arith.constant 0 : i32
    %ne3A_36 = arith.cmpi ne, %rem3A, %ne3A_35 : i32
    %and3A = arith.andi %ne3A, %ne3A_36 : i1
    %sub3A_37 = arith.constant 1 : i32
    %sub3A_38 = arith.subi %div3A, %sub3A_37 : i32
    %select_n3A = arith.select %and3A, %sub3A_38, %div3A : i32
    %while3A = arith.constant 0 : i32
    %while3A_39 = arith.constant 0 : i32
    %while3A_40 = arith.subi %select_n3A, %while3A : i32
    %while3A_41 = arith.addi %while3A, %while3A_40 : i32
    %while3A_42 = arith.constant 1 : i32
    %while3A_43 = arith.divsi %while3A_40, %while3A_42 : i32
    %while3A_44 = arith.muli %while3A_43, %while3A_42 : i32
    %while3A_45 = arith.addi %while3A, %while3A_44 : i32
    %while3A_46 = arith.constant 1 : i32
    %while3A_47 = scf.for %while3A_487 = %while3A to %while3A_45 step %while3A_46 iter_args(%while3A_488 = %while3A_39) -> (i32)  : i32 {
      %mul3A_489 = arith.constant 16 : i32
      %mul3A_490 = arith.muli %while3A_487, %mul3A_489 : i32
      %add3A_491 = arith.addi %arg1, %mul3A_490 : i32
      %mul3A_492 = arith.constant 80 : i32
      %mul3A_493 = arith.muli %add3A_491, %mul3A_492 : i32
      %run_scoped3A = arith.constant 0 : i32
      "tpu.region"() ({
        %run_scoped3A_495 = tpu.sem_alloc : memref<!tpu.dma_semaphore, #tpu.memory_space<semaphore_mem>>
        %dma_start3A_496 = arith.constant 0 : i32
        %dma_start3A_497 = arith.constant 0 : i32
        %dma_start3A_498 = tpu.memref_slice %arg9[%run_scoped3A, %dma_start3A_496, %dma_start3A_497] : memref<3x80x128xf32, #tpu.memory_space<vmem>> -> memref<1x80x128xf32, #tpu.memory_space<vmem>>
        %dma_start3A_499 = tpu.memref_squeeze %dma_start3A_498 : memref<1x80x128xf32, #tpu.memory_space<vmem>> -> memref<80x128xf32, #tpu.memory_space<vmem>>
        %dma_start3A_500 = arith.constant 0 : i32
        %dma_start3A_501 = tpu.memref_slice %arg11[%mul3A_493, %dma_start3A_500] : memref<10000x128xf32, #tpu.memory_space<vmem_shared>> -> memref<80x128xf32, #tpu.memory_space<vmem_shared>>
        %dma_start3A_502 = arith.constant 0 : i32
        %dma_start3A_503 = tpu.memref_slice %arg11[%mul3A_493, %dma_start3A_502] : memref<10000x128xf32, #tpu.memory_space<vmem_shared>> -> memref<80x128xf32, #tpu.memory_space<vmem_shared>>
        %dma_start3A_504 = arith.constant 0 : i32
        %dma_start3A_505 = arith.constant 0 : i32
        %dma_start3A_506 = tpu.memref_slice %arg9[%run_scoped3A, %dma_start3A_504, %dma_start3A_505] : memref<3x80x128xf32, #tpu.memory_space<vmem>> -> memref<1x80x128xf32, #tpu.memory_space<vmem>>
        %dma_start3A_507 = tpu.memref_squeeze %dma_start3A_506 : memref<1x80x128xf32, #tpu.memory_space<vmem>> -> memref<80x128xf32, #tpu.memory_space<vmem>>
        tpu.enqueue_dma source(%dma_start3A_507 : memref<80x128xf32, #tpu.memory_space<vmem>>) target(%dma_start3A_503 : memref<80x128xf32, #tpu.memory_space<vmem_shared>>) target_semaphore(%run_scoped3A_495 : memref<!tpu.dma_semaphore, #tpu.memory_space<semaphore_mem>>)
        %dma_wait3A_508 = arith.constant 0 : i32
        %dma_wait3A_509 = arith.constant 0 : i32
        %dma_wait3A_510 = tpu.memref_slice %arg9[%run_scoped3A, %dma_wait3A_508, %dma_wait3A_509] : memref<3x80x128xf32, #tpu.memory_space<vmem>> -> memref<1x80x128xf32, #tpu.memory_space<vmem>>
        %dma_wait3A_511 = tpu.memref_squeeze %dma_wait3A_510 : memref<1x80x128xf32, #tpu.memory_space<vmem>> -> memref<80x128xf32, #tpu.memory_space<vmem>>
        %dma_wait3A_512 = arith.constant 0 : i32
        %dma_wait3A_513 = tpu.memref_slice %arg11[%mul3A_493, %dma_wait3A_512] : memref<10000x128xf32, #tpu.memory_space<vmem_shared>> -> memref<80x128xf32, #tpu.memory_space<vmem_shared>>
        %dma_wait3A_514 = arith.constant 0 : i32
        %dma_wait3A_515 = tpu.memref_slice %arg11[%mul3A_493, %dma_wait3A_514] : memref<10000x128xf32, #tpu.memory_space<vmem_shared>> -> memref<80x128xf32, #tpu.memory_space<vmem_shared>>
        %dma_wait3A_516 = arith.constant 0 : i32
        %dma_wait3A_517 = arith.constant 0 : i32
        %dma_wait3A_518 = tpu.memref_slice %arg9[%run_scoped3A, %dma_wait3A_516, %dma_wait3A_517] : memref<3x80x128xf32, #tpu.memory_space<vmem>> -> memref<1x80x128xf32, #tpu.memory_space<vmem>>
        %dma_wait3A_519 = tpu.memref_squeeze %dma_wait3A_518 : memref<1x80x128xf32, #tpu.memory_space<vmem>> -> memref<80x128xf32, #tpu.memory_space<vmem>>
        tpu.wait_dma2 semaphore(%run_scoped3A_495 : memref<!tpu.dma_semaphore, #tpu.memory_space<semaphore_mem>>) src(%dma_wait3A_519 : memref<80x128xf32, #tpu.memory_space<vmem>>) dst(%dma_wait3A_515 : memref<80x128xf32, #tpu.memory_space<vmem_shared>>)
        tpu.yield
      }) : () -> ()
      "tpu.region"() ({
        %run_scoped3A_495 = tpu.sem_alloc : memref<!tpu.dma_semaphore, #tpu.memory_space<semaphore_mem>>
        %dma_start3A_496 = tpu.memref_slice %arg12[%mul3A_493] : memref<10000xf32, #tpu.memory_space<vmem_shared>> -> memref<80xf32, #tpu.memory_space<vmem_shared>>
        %dma_start3A_497 = tpu.memref_slice %arg12[%mul3A_493] : memref<10000xf32, #tpu.memory_space<vmem_shared>> -> memref<80xf32, #tpu.memory_space<vmem_shared>>
        tpu.enqueue_dma source(%arg10 : memref<80xf32, #tpu.memory_space<vmem>>) target(%dma_start3A_497 : memref<80xf32, #tpu.memory_space<vmem_shared>>) target_semaphore(%run_scoped3A_495 : memref<!tpu.dma_semaphore, #tpu.memory_space<semaphore_mem>>)
        %dma_wait3A_498 = tpu.memref_slice %arg12[%mul3A_493] : memref<10000xf32, #tpu.memory_space<vmem_shared>> -> memref<80xf32, #tpu.memory_space<vmem_shared>>
        %dma_wait3A_499 = tpu.memref_slice %arg12[%mul3A_493] : memref<10000xf32, #tpu.memory_space<vmem_shared>> -> memref<80xf32, #tpu.memory_space<vmem_shared>>
        tpu.wait_dma2 semaphore(%run_scoped3A_495 : memref<!tpu.dma_semaphore, #tpu.memory_space<semaphore_mem>>) src(%arg10 : memref<80xf32, #tpu.memory_space<vmem>>) dst(%dma_wait3A_499 : memref<80xf32, #tpu.memory_space<vmem_shared>>)
        tpu.yield
      }) : () -> ()
      %while3A_494 = arith.constant 0 : i32
      scf.yield %while3A_494 : i32
    }
    %while3A_48 = arith.constant 1 : i32
    %while3A_49 = scf.for %while3A_487 = %while3A_45 to %while3A_41 step %while3A_48 iter_args(%while3A_488 = %while3A_47) -> (i32)  : i32 {
      %mul3A_489 = arith.constant 16 : i32
      %mul3A_490 = arith.muli %while3A_487, %mul3A_489 : i32
      %add3A_491 = arith.addi %arg1, %mul3A_490 : i32
      %mul3A_492 = arith.constant 80 : i32
      %mul3A_493 = arith.muli %add3A_491, %mul3A_492 : i32
      %run_scoped3A = arith.constant 0 : i32
      "tpu.region"() ({
        %run_scoped3A_495 = tpu.sem_alloc : memref<!tpu.dma_semaphore, #tpu.memory_space<semaphore_mem>>
        %dma_start3A_496 = arith.constant 0 : i32
        %dma_start3A_497 = arith.constant 0 : i32
        %dma_start3A_498 = tpu.memref_slice %arg9[%run_scoped3A, %dma_start3A_496, %dma_start3A_497] : memref<3x80x128xf32, #tpu.memory_space<vmem>> -> memref<1x80x128xf32, #tpu.memory_space<vmem>>
        %dma_start3A_499 = tpu.memref_squeeze %dma_start3A_498 : memref<1x80x128xf32, #tpu.memory_space<vmem>> -> memref<80x128xf32, #tpu.memory_space<vmem>>
        %dma_start3A_500 = arith.constant 0 : i32
        %dma_start3A_501 = tpu.memref_slice %arg11[%mul3A_493, %dma_start3A_500] : memref<10000x128xf32, #tpu.memory_space<vmem_shared>> -> memref<80x128xf32, #tpu.memory_space<vmem_shared>>
        %dma_start3A_502 = arith.constant 0 : i32
        %dma_start3A_503 = tpu.memref_slice %arg11[%mul3A_493, %dma_start3A_502] : memref<10000x128xf32, #tpu.memory_space<vmem_shared>> -> memref<80x128xf32, #tpu.memory_space<vmem_shared>>
        %dma_start3A_504 = arith.constant 0 : i32
        %dma_start3A_505 = arith.constant 0 : i32
        %dma_start3A_506 = tpu.memref_slice %arg9[%run_scoped3A, %dma_start3A_504, %dma_start3A_505] : memref<3x80x128xf32, #tpu.memory_space<vmem>> -> memref<1x80x128xf32, #tpu.memory_space<vmem>>
        %dma_start3A_507 = tpu.memref_squeeze %dma_start3A_506 : memref<1x80x128xf32, #tpu.memory_space<vmem>> -> memref<80x128xf32, #tpu.memory_space<vmem>>
        tpu.enqueue_dma source(%dma_start3A_507 : memref<80x128xf32, #tpu.memory_space<vmem>>) target(%dma_start3A_503 : memref<80x128xf32, #tpu.memory_space<vmem_shared>>) target_semaphore(%run_scoped3A_495 : memref<!tpu.dma_semaphore, #tpu.memory_space<semaphore_mem>>)
        %dma_wait3A_508 = arith.constant 0 : i32
        %dma_wait3A_509 = arith.constant 0 : i32
        %dma_wait3A_510 = tpu.memref_slice %arg9[%run_scoped3A, %dma_wait3A_508, %dma_wait3A_509] : memref<3x80x128xf32, #tpu.memory_space<vmem>> -> memref<1x80x128xf32, #tpu.memory_space<vmem>>
        %dma_wait3A_511 = tpu.memref_squeeze %dma_wait3A_510 : memref<1x80x128xf32, #tpu.memory_space<vmem>> -> memref<80x128xf32, #tpu.memory_space<vmem>>
        %dma_wait3A_512 = arith.constant 0 : i32
        %dma_wait3A_513 = tpu.memref_slice %arg11[%mul3A_493, %dma_wait3A_512] : memref<10000x128xf32, #tpu.memory_space<vmem_shared>> -> memref<80x128xf32, #tpu.memory_space<vmem_shared>>
        %dma_wait3A_514 = arith.constant 0 : i32
        %dma_wait3A_515 = tpu.memref_slice %arg11[%mul3A_493, %dma_wait3A_514] : memref<10000x128xf32, #tpu.memory_space<vmem_shared>> -> memref<80x128xf32, #tpu.memory_space<vmem_shared>>
        %dma_wait3A_516 = arith.constant 0 : i32
        %dma_wait3A_517 = arith.constant 0 : i32
        %dma_wait3A_518 = tpu.memref_slice %arg9[%run_scoped3A, %dma_wait3A_516, %dma_wait3A_517] : memref<3x80x128xf32, #tpu.memory_space<vmem>> -> memref<1x80x128xf32, #tpu.memory_space<vmem>>
        %dma_wait3A_519 = tpu.memref_squeeze %dma_wait3A_518 : memref<1x80x128xf32, #tpu.memory_space<vmem>> -> memref<80x128xf32, #tpu.memory_space<vmem>>
        tpu.wait_dma2 semaphore(%run_scoped3A_495 : memref<!tpu.dma_semaphore, #tpu.memory_space<semaphore_mem>>) src(%dma_wait3A_519 : memref<80x128xf32, #tpu.memory_space<vmem>>) dst(%dma_wait3A_515 : memref<80x128xf32, #tpu.memory_space<vmem_shared>>)
        tpu.yield
      }) : () -> ()
      "tpu.region"() ({
        %run_scoped3A_495 = tpu.sem_alloc : memref<!tpu.dma_semaphore, #tpu.memory_space<semaphore_mem>>
        %dma_start3A_496 = tpu.memref_slice %arg12[%mul3A_493] : memref<10000xf32, #tpu.memory_space<vmem_shared>> -> memref<80xf32, #tpu.memory_space<vmem_shared>>
        %dma_start3A_497 = tpu.memref_slice %arg12[%mul3A_493] : memref<10000xf32, #tpu.memory_space<vmem_shared>> -> memref<80xf32, #tpu.memory_space<vmem_shared>>
        tpu.enqueue_dma source(%arg10 : memref<80xf32, #tpu.memory_space<vmem>>) target(%dma_start3A_497 : memref<80xf32, #tpu.memory_space<vmem_shared>>) target_semaphore(%run_scoped3A_495 : memref<!tpu.dma_semaphore, #tpu.memory_space<semaphore_mem>>)
        %dma_wait3A_498 = tpu.memref_slice %arg12[%mul3A_493] : memref<10000xf32, #tpu.memory_space<vmem_shared>> -> memref<80xf32, #tpu.memory_space<vmem_shared>>
        %dma_wait3A_499 = tpu.memref_slice %arg12[%mul3A_493] : memref<10000xf32, #tpu.memory_space<vmem_shared>> -> memref<80xf32, #tpu.memory_space<vmem_shared>>
        tpu.wait_dma2 semaphore(%run_scoped3A_495 : memref<!tpu.dma_semaphore, #tpu.memory_space<semaphore_mem>>) src(%arg10 : memref<80xf32, #tpu.memory_space<vmem>>) dst(%dma_wait3A_499 : memref<80xf32, #tpu.memory_space<vmem_shared>>)
        tpu.yield
      }) : () -> ()
      %while3A_494 = arith.constant 0 : i32
      scf.yield %while3A_494 : i32
    }
    %broadcast_in_dim3A_50 = arith.constant 1.000000e+00 : f32
    %broadcast_in_dim3A_51 = vector.broadcast %broadcast_in_dim3A_50 : f32 to vector<16xf32>
    %scan3A_52 = arith.constant 0 : i32
    %scan3A_53 = arith.constant 0 : i32
    %scan3A_54 = arith.constant 5 : i32
    %scan3A_55 = arith.addi %scan3A_53, %scan3A_54 : i32
    %scan3A_56 = arith.constant 1 : i32
    %scan3A_57 = scf.for %scan3A_487 = %scan3A_53 to %scan3A_55 step %scan3A_56 iter_args(%scan3A_488 = %scan3A_52) -> (i32)  : i32 {
      %mul3A_489 = arith.constant 16 : i32
      %mul3A_490 = arith.muli %scan3A_487, %mul3A_489 : i32
      %swap3A = arith.index_cast %mul3A_490 : i32 to index
      %swap3A_491 = tpu.vector_load %arg10[%swap3A] {strides = array<i32>} : memref<80xf32, #tpu.memory_space<vmem>>, vector<16xf32>,
      %swap3A_492 = vector.shape_cast %swap3A_491 : vector<16xf32> to vector<16xf32>
      %swap3A_493 = vector.shape_cast %broadcast_in_dim3A_51 : vector<16xf32> to vector<16xf32>
      tpu.vector_store %arg10[%swap3A], %swap3A_493 {strides = array<i32>} : memref<80xf32, #tpu.memory_space<vmem>>, vector<16xf32>,
      %scan3A_494 = arith.constant 0 : i32
      scf.yield %scan3A_494 : i32
    }
    %scan3A_58 = arith.constant 5 : i32
    %barrier3A = arith.constant 0 : index
    tpu.barrier barrier_id(%barrier3A)
    %dma_start3A = arith.constant 0 : i32
    %dma_start3A_59 = arith.constant 0 : i32
    %dma_start3A_60 = arith.constant 0 : i32
    %dma_start3A_61 = tpu.memref_slice %arg9[%dma_start3A, %dma_start3A_59, %dma_start3A_60] : memref<3x80x128xf32, #tpu.memory_space<vmem>> -> memref<1x80x128xf32, #tpu.memory_space<vmem>>
    %dma_start3A_62 = tpu.memref_squeeze %dma_start3A_61 : memref<1x80x128xf32, #tpu.memory_space<vmem>> -> memref<80x128xf32, #tpu.memory_space<vmem>>
    %dma_start3A_63 = arith.constant 0 : i32
    %dma_start3A_64 = tpu.memref_slice %arg7[%dma_start3A_63] : memref<10000xi32, #tpu.memory_space<vmem>> -> memref<80xi32, #tpu.memory_space<vmem>>
    %dma_start3A_65 = arith.constant 0 : i32
    %dma_start3A_66 = arith.constant 0 : i32
    %dma_start3A_67 = tpu.memref_slice %arg2[%dma_start3A_65, %dma_start3A_66] : memref<10000x128xf32, #tpu.memory_space<hbm>> -> memref<10000x128xf32, #tpu.memory_space<hbm>>
    tpu.enqueue_indirect_dma source(%dma_start3A_67 : memref<10000x128xf32, #tpu.memory_space<hbm>>) target(%dma_start3A_62 : memref<80x128xf32, #tpu.memory_space<vmem>>) offsets(%dma_start3A_64 : memref<80xi32, #tpu.memory_space<vmem>>) semaphore(%arg13 : memref<!tpu.dma_semaphore, #tpu.memory_space<semaphore_mem>>)
    %mul3A_68 = arith.constant 10000 : i32
    %mul3A_69 = arith.muli %add3A, %mul3A_68 : i32
    %add3A_70 = arith.constant 0 : i32
    %add3A_71 = arith.addi %mul3A_69, %add3A_70 : i32
    %dma_start3A_72 = arith.constant 0 : i32
    %dma_start3A_73 = arith.constant 0 : i32
    %dma_start3A_74 = tpu.memref_slice %arg8[%dma_start3A_72, %dma_start3A_73] : memref<3x80xi32, #tpu.memory_space<vmem>> -> memref<1x80xi32, #tpu.memory_space<vmem>>
    %dma_start3A_75 = tpu.memref_squeeze %dma_start3A_74 : memref<1x80xi32, #tpu.memory_space<vmem>> -> memref<80xi32, #tpu.memory_space<vmem>>
    %dma_start3A_76 = tpu.memref_slice %arg4[%add3A_71] : memref<320000xi32, #tpu.memory_space<hbm>> -> memref<80xi32, #tpu.memory_space<hbm>>
    %dma_start3A_77 = arith.constant 0 : i32
    %dma_start3A_78 = tpu.memref_slice %arg8[%dma_start3A_72, %dma_start3A_77] : memref<3x80xi32, #tpu.memory_space<vmem>> -> memref<1x80xi32, #tpu.memory_space<vmem>>
    %dma_start3A_79 = tpu.memref_squeeze %dma_start3A_78 : memref<1x80xi32, #tpu.memory_space<vmem>> -> memref<80xi32, #tpu.memory_space<vmem>>
    %dma_start3A_80 = tpu.memref_slice %arg4[%add3A_71] : memref<320000xi32, #tpu.memory_space<hbm>> -> memref<80xi32, #tpu.memory_space<hbm>>
    tpu.enqueue_dma source(%dma_start3A_80 : memref<80xi32, #tpu.memory_space<hbm>>) target(%dma_start3A_79 : memref<80xi32, #tpu.memory_space<vmem>>) target_semaphore(%arg13 : memref<!tpu.dma_semaphore, #tpu.memory_space<semaphore_mem>>)
    %dma_start3A_81 = arith.constant 1 : i32
    %dma_start3A_82 = arith.constant 0 : i32
    %dma_start3A_83 = arith.constant 0 : i32
    %dma_start3A_84 = tpu.memref_slice %arg9[%dma_start3A_81, %dma_start3A_82, %dma_start3A_83] : memref<3x80x128xf32, #tpu.memory_space<vmem>> -> memref<1x80x128xf32, #tpu.memory_space<vmem>>
    %dma_start3A_85 = tpu.memref_squeeze %dma_start3A_84 : memref<1x80x128xf32, #tpu.memory_space<vmem>> -> memref<80x128xf32, #tpu.memory_space<vmem>>
    %dma_start3A_86 = arith.constant 80 : i32
    %dma_start3A_87 = tpu.memref_slice %arg7[%dma_start3A_86] : memref<10000xi32, #tpu.memory_space<vmem>> -> memref<80xi32, #tpu.memory_space<vmem>>
    %dma_start3A_88 = arith.constant 0 : i32
    %dma_start3A_89 = arith.constant 0 : i32
    %dma_start3A_90 = tpu.memref_slice %arg2[%dma_start3A_88, %dma_start3A_89] : memref<10000x128xf32, #tpu.memory_space<hbm>> -> memref<10000x128xf32, #tpu.memory_space<hbm>>
    tpu.enqueue_indirect_dma source(%dma_start3A_90 : memref<10000x128xf32, #tpu.memory_space<hbm>>) target(%dma_start3A_85 : memref<80x128xf32, #tpu.memory_space<vmem>>) offsets(%dma_start3A_87 : memref<80xi32, #tpu.memory_space<vmem>>) semaphore(%arg14 : memref<!tpu.dma_semaphore, #tpu.memory_space<semaphore_mem>>)
    %mul3A_91 = arith.constant 10000 : i32
    %mul3A_92 = arith.muli %add3A, %mul3A_91 : i32
    %add3A_93 = arith.constant 80 : i32
    %add3A_94 = arith.addi %mul3A_92, %add3A_93 : i32
    %dma_start3A_95 = arith.constant 1 : i32
    %dma_start3A_96 = arith.constant 0 : i32
    %dma_start3A_97 = tpu.memref_slice %arg8[%dma_start3A_95, %dma_start3A_96] : memref<3x80xi32, #tpu.memory_space<vmem>> -> memref<1x80xi32, #tpu.memory_space<vmem>>
    %dma_start3A_98 = tpu.memref_squeeze %dma_start3A_97 : memref<1x80xi32, #tpu.memory_space<vmem>> -> memref<80xi32, #tpu.memory_space<vmem>>
    %dma_start3A_99 = tpu.memref_slice %arg4[%add3A_94] : memref<320000xi32, #tpu.memory_space<hbm>> -> memref<80xi32, #tpu.memory_space<hbm>>
    %dma_start3A_100 = arith.constant 0 : i32
    %dma_start3A_101 = tpu.memref_slice %arg8[%dma_start3A_95, %dma_start3A_100] : memref<3x80xi32, #tpu.memory_space<vmem>> -> memref<1x80xi32, #tpu.memory_space<vmem>>
    %dma_start3A_102 = tpu.memref_squeeze %dma_start3A_101 : memref<1x80xi32, #tpu.memory_space<vmem>> -> memref<80xi32, #tpu.memory_space<vmem>>
    %dma_start3A_103 = tpu.memref_slice %arg4[%add3A_94] : memref<320000xi32, #tpu.memory_space<hbm>> -> memref<80xi32, #tpu.memory_space<hbm>>
    tpu.enqueue_dma source(%dma_start3A_103 : memref<80xi32, #tpu.memory_space<hbm>>) target(%dma_start3A_102 : memref<80xi32, #tpu.memory_space<vmem>>) target_semaphore(%arg14 : memref<!tpu.dma_semaphore, #tpu.memory_space<semaphore_mem>>)
    %dma_wait3A = arith.constant 0 : i32
    %dma_wait3A_104 = arith.constant 0 : i32
    %dma_wait3A_105 = arith.constant 0 : i32
    %dma_wait3A_106 = tpu.memref_slice %arg9[%dma_wait3A, %dma_wait3A_104, %dma_wait3A_105] : memref<3x80x128xf32, #tpu.memory_space<vmem>> -> memref<1x80x128xf32, #tpu.memory_space<vmem>>
    %dma_wait3A_107 = tpu.memref_squeeze %dma_wait3A_106 : memref<1x80x128xf32, #tpu.memory_space<vmem>> -> memref<80x128xf32, #tpu.memory_space<vmem>>
    %dma_wait3A_108 = arith.constant 0 : i32
    %dma_wait3A_109 = tpu.memref_slice %arg7[%dma_wait3A_108] : memref<10000xi32, #tpu.memory_space<vmem>> -> memref<80xi32, #tpu.memory_space<vmem>>
    %dma_wait3A_110 = arith.constant 0 : i32
    %dma_wait3A_111 = arith.constant 0 : i32
    %dma_wait3A_112 = tpu.memref_slice %arg2[%dma_wait3A_110, %dma_wait3A_111] : memref<10000x128xf32, #tpu.memory_space<hbm>> -> memref<10000x128xf32, #tpu.memory_space<hbm>>
    tpu.wait_indirect_dma semaphore(%arg13 : memref<!tpu.dma_semaphore, #tpu.memory_space<semaphore_mem>>) src(%dma_wait3A_112 : memref<10000x128xf32, #tpu.memory_space<hbm>>) dst(%dma_wait3A_107 : memref<80x128xf32, #tpu.memory_space<vmem>>)
    %mul3A_113 = arith.constant 10000 : i32
    %mul3A_114 = arith.muli %add3A, %mul3A_113 : i32
    %add3A_115 = arith.constant 0 : i32
    %add3A_116 = arith.addi %mul3A_114, %add3A_115 : i32
    %dma_wait3A_117 = arith.constant 0 : i32
    %dma_wait3A_118 = arith.constant 0 : i32
    %dma_wait3A_119 = tpu.memref_slice %arg8[%dma_wait3A_117, %dma_wait3A_118] : memref<3x80xi32, #tpu.memory_space<vmem>> -> memref<1x80xi32, #tpu.memory_space<vmem>>
    %dma_wait3A_120 = tpu.memref_squeeze %dma_wait3A_119 : memref<1x80xi32, #tpu.memory_space<vmem>> -> memref<80xi32, #tpu.memory_space<vmem>>
    %dma_wait3A_121 = tpu.memref_slice %arg4[%add3A_116] : memref<320000xi32, #tpu.memory_space<hbm>> -> memref<80xi32, #tpu.memory_space<hbm>>
    %dma_wait3A_122 = arith.constant 0 : i32
    %dma_wait3A_123 = tpu.memref_slice %arg8[%dma_wait3A_117, %dma_wait3A_122] : memref<3x80xi32, #tpu.memory_space<vmem>> -> memref<1x80xi32, #tpu.memory_space<vmem>>
    %dma_wait3A_124 = tpu.memref_squeeze %dma_wait3A_123 : memref<1x80xi32, #tpu.memory_space<vmem>> -> memref<80xi32, #tpu.memory_space<vmem>>
    %dma_wait3A_125 = tpu.memref_slice %arg4[%add3A_116] : memref<320000xi32, #tpu.memory_space<hbm>> -> memref<80xi32, #tpu.memory_space<hbm>>
    tpu.wait_dma2 semaphore(%arg13 : memref<!tpu.dma_semaphore, #tpu.memory_space<semaphore_mem>>) src(%dma_wait3A_125 : memref<80xi32, #tpu.memory_space<hbm>>) dst(%dma_wait3A_124 : memref<80xi32, #tpu.memory_space<vmem>>)
    %dma_start3A_126 = arith.constant 0 : i32
    %dma_start3A_127 = arith.constant 0 : i32
    %dma_start3A_128 = arith.constant 0 : i32
    %dma_start3A_129 = arith.constant 0 : i32
    %dma_start3A_130 = tpu.memref_slice %arg9[%dma_start3A_126, %dma_start3A_128, %dma_start3A_129] : memref<3x80x128xf32, #tpu.memory_space<vmem>> -> memref<1x80x128xf32, #tpu.memory_space<vmem>>
    %dma_start3A_131 = tpu.memref_squeeze %dma_start3A_130 : memref<1x80x128xf32, #tpu.memory_space<vmem>> -> memref<80x128xf32, #tpu.memory_space<vmem>>
    %dma_start3A_132 = arith.constant 0 : i32
    %dma_start3A_133 = tpu.memref_slice %arg8[%dma_start3A_127, %dma_start3A_132] : memref<3x80xi32, #tpu.memory_space<vmem>> -> memref<1x80xi32, #tpu.memory_space<vmem>>
    %dma_start3A_134 = tpu.memref_squeeze %dma_start3A_133 : memref<1x80xi32, #tpu.memory_space<vmem>> -> memref<80xi32, #tpu.memory_space<vmem>>
    %dma_start3A_135 = arith.constant 0 : i32
    %dma_start3A_136 = arith.constant 0 : i32
    %dma_start3A_137 = tpu.memref_slice %arg11[%dma_start3A_135, %dma_start3A_136] : memref<10000x128xf32, #tpu.memory_space<vmem_shared>> -> memref<10000x128xf32, #tpu.memory_space<vmem_shared>>
    tpu.enqueue_indirect_dma source(%dma_start3A_131 : memref<80x128xf32, #tpu.memory_space<vmem>>) target(%dma_start3A_137 : memref<10000x128xf32, #tpu.memory_space<vmem_shared>>) offsets(%dma_start3A_134 : memref<80xi32, #tpu.memory_space<vmem>>) semaphore(%arg16 : memref<!tpu.dma_semaphore, #tpu.memory_space<semaphore_mem>>) {add = true}
    %dma_start3A_138 = arith.constant 0 : i32
    %dma_start3A_139 = arith.constant 0 : i32
    %dma_start3A_140 = tpu.memref_slice %arg8[%dma_start3A_138, %dma_start3A_139] : memref<3x80xi32, #tpu.memory_space<vmem>> -> memref<1x80xi32, #tpu.memory_space<vmem>>
    %dma_start3A_141 = tpu.memref_squeeze %dma_start3A_140 : memref<1x80xi32, #tpu.memory_space<vmem>> -> memref<80xi32, #tpu.memory_space<vmem>>
    %dma_start3A_142 = arith.constant 0 : i32
    %dma_start3A_143 = tpu.memref_slice %arg12[%dma_start3A_142] : memref<10000xf32, #tpu.memory_space<vmem_shared>> -> memref<10000xf32, #tpu.memory_space<vmem_shared>>
    tpu.enqueue_indirect_dma source(%arg10 : memref<80xf32, #tpu.memory_space<vmem>>) target(%dma_start3A_143 : memref<10000xf32, #tpu.memory_space<vmem_shared>>) offsets(%dma_start3A_141 : memref<80xi32, #tpu.memory_space<vmem>>) semaphore(%arg16 : memref<!tpu.dma_semaphore, #tpu.memory_space<semaphore_mem>>) {add = true}
    %dma_start3A_144 = arith.constant 2 : i32
    %dma_start3A_145 = arith.constant 0 : i32
    %dma_start3A_146 = arith.constant 0 : i32
    %dma_start3A_147 = tpu.memref_slice %arg9[%dma_start3A_144, %dma_start3A_145, %dma_start3A_146] : memref<3x80x128xf32, #tpu.memory_space<vmem>> -> memref<1x80x128xf32, #tpu.memory_space<vmem>>
    %dma_start3A_148 = tpu.memref_squeeze %dma_start3A_147 : memref<1x80x128xf32, #tpu.memory_space<vmem>> -> memref<80x128xf32, #tpu.memory_space<vmem>>
    %dma_start3A_149 = arith.constant 160 : i32
    %dma_start3A_150 = tpu.memref_slice %arg7[%dma_start3A_149] : memref<10000xi32, #tpu.memory_space<vmem>> -> memref<80xi32, #tpu.memory_space<vmem>>
    %dma_start3A_151 = arith.constant 0 : i32
    %dma_start3A_152 = arith.constant 0 : i32
    %dma_start3A_153 = tpu.memref_slice %arg2[%dma_start3A_151, %dma_start3A_152] : memref<10000x128xf32, #tpu.memory_space<hbm>> -> memref<10000x128xf32, #tpu.memory_space<hbm>>
    tpu.enqueue_indirect_dma source(%dma_start3A_153 : memref<10000x128xf32, #tpu.memory_space<hbm>>) target(%dma_start3A_148 : memref<80x128xf32, #tpu.memory_space<vmem>>) offsets(%dma_start3A_150 : memref<80xi32, #tpu.memory_space<vmem>>) semaphore(%arg15 : memref<!tpu.dma_semaphore, #tpu.memory_space<semaphore_mem>>)
    %mul3A_154 = arith.constant 10000 : i32
    %mul3A_155 = arith.muli %add3A, %mul3A_154 : i32
    %add3A_156 = arith.constant 160 : i32
    %add3A_157 = arith.addi %mul3A_155, %add3A_156 : i32
    %dma_start3A_158 = arith.constant 2 : i32
    %dma_start3A_159 = arith.constant 0 : i32
    %dma_start3A_160 = tpu.memref_slice %arg8[%dma_start3A_158, %dma_start3A_159] : memref<3x80xi32, #tpu.memory_space<vmem>> -> memref<1x80xi32, #tpu.memory_space<vmem>>
    %dma_start3A_161 = tpu.memref_squeeze %dma_start3A_160 : memref<1x80xi32, #tpu.memory_space<vmem>> -> memref<80xi32, #tpu.memory_space<vmem>>
    %dma_start3A_162 = tpu.memref_slice %arg4[%add3A_157] : memref<320000xi32, #tpu.memory_space<hbm>> -> memref<80xi32, #tpu.memory_space<hbm>>
    %dma_start3A_163 = arith.constant 0 : i32
    %dma_start3A_164 = tpu.memref_slice %arg8[%dma_start3A_158, %dma_start3A_163] : memref<3x80xi32, #tpu.memory_space<vmem>> -> memref<1x80xi32, #tpu.memory_space<vmem>>
    %dma_start3A_165 = tpu.memref_squeeze %dma_start3A_164 : memref<1x80xi32, #tpu.memory_space<vmem>> -> memref<80xi32, #tpu.memory_space<vmem>>
    %dma_start3A_166 = tpu.memref_slice %arg4[%add3A_157] : memref<320000xi32, #tpu.memory_space<hbm>> -> memref<80xi32, #tpu.memory_space<hbm>>
    tpu.enqueue_dma source(%dma_start3A_166 : memref<80xi32, #tpu.memory_space<hbm>>) target(%dma_start3A_165 : memref<80xi32, #tpu.memory_space<vmem>>) target_semaphore(%arg15 : memref<!tpu.dma_semaphore, #tpu.memory_space<semaphore_mem>>)
    %dma_wait3A_167 = arith.constant 1 : i32
    %dma_wait3A_168 = arith.constant 0 : i32
    %dma_wait3A_169 = arith.constant 0 : i32
    %dma_wait3A_170 = tpu.memref_slice %arg9[%dma_wait3A_167, %dma_wait3A_168, %dma_wait3A_169] : memref<3x80x128xf32, #tpu.memory_space<vmem>> -> memref<1x80x128xf32, #tpu.memory_space<vmem>>
    %dma_wait3A_171 = tpu.memref_squeeze %dma_wait3A_170 : memref<1x80x128xf32, #tpu.memory_space<vmem>> -> memref<80x128xf32, #tpu.memory_space<vmem>>
    %dma_wait3A_172 = arith.constant 80 : i32
    %dma_wait3A_173 = tpu.memref_slice %arg7[%dma_wait3A_172] : memref<10000xi32, #tpu.memory_space<vmem>> -> memref<80xi32, #tpu.memory_space<vmem>>
    %dma_wait3A_174 = arith.constant 0 : i32
    %dma_wait3A_175 = arith.constant 0 : i32
    %dma_wait3A_176 = tpu.memref_slice %arg2[%dma_wait3A_174, %dma_wait3A_175] : memref<10000x128xf32, #tpu.memory_space<hbm>> -> memref<10000x128xf32, #tpu.memory_space<hbm>>
    tpu.wait_indirect_dma semaphore(%arg14 : memref<!tpu.dma_semaphore, #tpu.memory_space<semaphore_mem>>) src(%dma_wait3A_176 : memref<10000x128xf32, #tpu.memory_space<hbm>>) dst(%dma_wait3A_171 : memref<80x128xf32, #tpu.memory_space<vmem>>)
    %mul3A_177 = arith.constant 10000 : i32
    %mul3A_178 = arith.muli %add3A, %mul3A_177 : i32
    %add3A_179 = arith.constant 80 : i32
    %add3A_180 = arith.addi %mul3A_178, %add3A_179 : i32
    %dma_wait3A_181 = arith.constant 1 : i32
    %dma_wait3A_182 = arith.constant 0 : i32
    %dma_wait3A_183 = tpu.memref_slice %arg8[%dma_wait3A_181, %dma_wait3A_182] : memref<3x80xi32, #tpu.memory_space<vmem>> -> memref<1x80xi32, #tpu.memory_space<vmem>>
    %dma_wait3A_184 = tpu.memref_squeeze %dma_wait3A_183 : memref<1x80xi32, #tpu.memory_space<vmem>> -> memref<80xi32, #tpu.memory_space<vmem>>
    %dma_wait3A_185 = tpu.memref_slice %arg4[%add3A_180] : memref<320000xi32, #tpu.memory_space<hbm>> -> memref<80xi32, #tpu.memory_space<hbm>>
    %dma_wait3A_186 = arith.constant 0 : i32
    %dma_wait3A_187 = tpu.memref_slice %arg8[%dma_wait3A_181, %dma_wait3A_186] : memref<3x80xi32, #tpu.memory_space<vmem>> -> memref<1x80xi32, #tpu.memory_space<vmem>>
    %dma_wait3A_188 = tpu.memref_squeeze %dma_wait3A_187 : memref<1x80xi32, #tpu.memory_space<vmem>> -> memref<80xi32, #tpu.memory_space<vmem>>
    %dma_wait3A_189 = tpu.memref_slice %arg4[%add3A_180] : memref<320000xi32, #tpu.memory_space<hbm>> -> memref<80xi32, #tpu.memory_space<hbm>>
    tpu.wait_dma2 semaphore(%arg14 : memref<!tpu.dma_semaphore, #tpu.memory_space<semaphore_mem>>) src(%dma_wait3A_189 : memref<80xi32, #tpu.memory_space<hbm>>) dst(%dma_wait3A_188 : memref<80xi32, #tpu.memory_space<vmem>>)
    %dma_wait3A_190 = arith.constant 0 : i32
    %dma_wait3A_191 = arith.constant 0 : i32
    %dma_wait3A_192 = arith.constant 0 : i32
    %dma_wait3A_193 = arith.constant 0 : i32
    %dma_wait3A_194 = tpu.memref_slice %arg9[%dma_wait3A_190, %dma_wait3A_192, %dma_wait3A_193] : memref<3x80x128xf32, #tpu.memory_space<vmem>> -> memref<1x80x128xf32, #tpu.memory_space<vmem>>
    %dma_wait3A_195 = tpu.memref_squeeze %dma_wait3A_194 : memref<1x80x128xf32, #tpu.memory_space<vmem>> -> memref<80x128xf32, #tpu.memory_space<vmem>>
    %dma_wait3A_196 = arith.constant 0 : i32
    %dma_wait3A_197 = tpu.memref_slice %arg8[%dma_wait3A_191, %dma_wait3A_196] : memref<3x80xi32, #tpu.memory_space<vmem>> -> memref<1x80xi32, #tpu.memory_space<vmem>>
    %dma_wait3A_198 = tpu.memref_squeeze %dma_wait3A_197 : memref<1x80xi32, #tpu.memory_space<vmem>> -> memref<80xi32, #tpu.memory_space<vmem>>
    %dma_wait3A_199 = arith.constant 0 : i32
    %dma_wait3A_200 = arith.constant 0 : i32
    %dma_wait3A_201 = tpu.memref_slice %arg11[%dma_wait3A_199, %dma_wait3A_200] : memref<10000x128xf32, #tpu.memory_space<vmem_shared>> -> memref<10000x128xf32, #tpu.memory_space<vmem_shared>>
    tpu.wait_indirect_dma semaphore(%arg16 : memref<!tpu.dma_semaphore, #tpu.memory_space<semaphore_mem>>) src(%dma_wait3A_195 : memref<80x128xf32, #tpu.memory_space<vmem>>) dst(%dma_wait3A_201 : memref<10000x128xf32, #tpu.memory_space<vmem_shared>>)
    %dma_wait3A_202 = arith.constant 0 : i32
    %dma_wait3A_203 = arith.constant 0 : i32
    %dma_wait3A_204 = tpu.memref_slice %arg8[%dma_wait3A_202, %dma_wait3A_203] : memref<3x80xi32, #tpu.memory_space<vmem>> -> memref<1x80xi32, #tpu.memory_space<vmem>>
    %dma_wait3A_205 = tpu.memref_squeeze %dma_wait3A_204 : memref<1x80xi32, #tpu.memory_space<vmem>> -> memref<80xi32, #tpu.memory_space<vmem>>
    %dma_wait3A_206 = arith.constant 0 : i32
    %dma_wait3A_207 = tpu.memref_slice %arg12[%dma_wait3A_206] : memref<10000xf32, #tpu.memory_space<vmem_shared>> -> memref<10000xf32, #tpu.memory_space<vmem_shared>>
    tpu.wait_indirect_dma semaphore(%arg16 : memref<!tpu.dma_semaphore, #tpu.memory_space<semaphore_mem>>) src(%arg10 : memref<80xf32, #tpu.memory_space<vmem>>) dst(%dma_wait3A_207 : memref<10000xf32, #tpu.memory_space<vmem_shared>>)
    %dma_start3A_208 = arith.constant 0 : i32
    %dma_start3A_209 = arith.constant 0 : i32
    %dma_start3A_210 = arith.constant 0 : i32
    %dma_start3A_211 = tpu.memref_slice %arg9[%dma_start3A_208, %dma_start3A_209, %dma_start3A_210] : memref<3x80x128xf32, #tpu.memory_space<vmem>> -> memref<1x80x128xf32, #tpu.memory_space<vmem>>
    %dma_start3A_212 = tpu.memref_squeeze %dma_start3A_211 : memref<1x80x128xf32, #tpu.memory_space<vmem>> -> memref<80x128xf32, #tpu.memory_space<vmem>>
    %dma_start3A_213 = arith.constant 240 : i32
    %dma_start3A_214 = tpu.memref_slice %arg7[%dma_start3A_213] : memref<10000xi32, #tpu.memory_space<vmem>> -> memref<80xi32, #tpu.memory_space<vmem>>
    %dma_start3A_215 = arith.constant 0 : i32
    %dma_start3A_216 = arith.constant 0 : i32
    %dma_start3A_217 = tpu.memref_slice %arg2[%dma_start3A_215, %dma_start3A_216] : memref<10000x128xf32, #tpu.memory_space<hbm>> -> memref<10000x128xf32, #tpu.memory_space<hbm>>
    tpu.enqueue_indirect_dma source(%dma_start3A_217 : memref<10000x128xf32, #tpu.memory_space<hbm>>) target(%dma_start3A_212 : memref<80x128xf32, #tpu.memory_space<vmem>>) offsets(%dma_start3A_214 : memref<80xi32, #tpu.memory_space<vmem>>) semaphore(%arg13 : memref<!tpu.dma_semaphore, #tpu.memory_space<semaphore_mem>>)
    %mul3A_218 = arith.constant 10000 : i32
    %mul3A_219 = arith.muli %add3A, %mul3A_218 : i32
    %add3A_220 = arith.constant 240 : i32
    %add3A_221 = arith.addi %mul3A_219, %add3A_220 : i32
    %dma_start3A_222 = arith.constant 0 : i32
    %dma_start3A_223 = arith.constant 0 : i32
    %dma_start3A_224 = tpu.memref_slice %arg8[%dma_start3A_222, %dma_start3A_223] : memref<3x80xi32, #tpu.memory_space<vmem>> -> memref<1x80xi32, #tpu.memory_space<vmem>>
    %dma_start3A_225 = tpu.memref_squeeze %dma_start3A_224 : memref<1x80xi32, #tpu.memory_space<vmem>> -> memref<80xi32, #tpu.memory_space<vmem>>
    %dma_start3A_226 = tpu.memref_slice %arg4[%add3A_221] : memref<320000xi32, #tpu.memory_space<hbm>> -> memref<80xi32, #tpu.memory_space<hbm>>
    %dma_start3A_227 = arith.constant 0 : i32
    %dma_start3A_228 = tpu.memref_slice %arg8[%dma_start3A_222, %dma_start3A_227] : memref<3x80xi32, #tpu.memory_space<vmem>> -> memref<1x80xi32, #tpu.memory_space<vmem>>
    %dma_start3A_229 = tpu.memref_squeeze %dma_start3A_228 : memref<1x80xi32, #tpu.memory_space<vmem>> -> memref<80xi32, #tpu.memory_space<vmem>>
    %dma_start3A_230 = tpu.memref_slice %arg4[%add3A_221] : memref<320000xi32, #tpu.memory_space<hbm>> -> memref<80xi32, #tpu.memory_space<hbm>>
    tpu.enqueue_dma source(%dma_start3A_230 : memref<80xi32, #tpu.memory_space<hbm>>) target(%dma_start3A_229 : memref<80xi32, #tpu.memory_space<vmem>>) target_semaphore(%arg13 : memref<!tpu.dma_semaphore, #tpu.memory_space<semaphore_mem>>)
    %dma_start3A_231 = arith.constant 1 : i32
    %dma_start3A_232 = arith.constant 1 : i32
    %dma_start3A_233 = arith.constant 0 : i32
    %dma_start3A_234 = arith.constant 0 : i32
    %dma_start3A_235 = tpu.memref_slice %arg9[%dma_start3A_231, %dma_start3A_233, %dma_start3A_234] : memref<3x80x128xf32, #tpu.memory_space<vmem>> -> memref<1x80x128xf32, #tpu.memory_space<vmem>>
    %dma_start3A_236 = tpu.memref_squeeze %dma_start3A_235 : memref<1x80x128xf32, #tpu.memory_space<vmem>> -> memref<80x128xf32, #tpu.memory_space<vmem>>
    %dma_start3A_237 = arith.constant 0 : i32
    %dma_start3A_238 = tpu.memref_slice %arg8[%dma_start3A_232, %dma_start3A_237] : memref<3x80xi32, #tpu.memory_space<vmem>> -> memref<1x80xi32, #tpu.memory_space<vmem>>
    %dma_start3A_239 = tpu.memref_squeeze %dma_start3A_238 : memref<1x80xi32, #tpu.memory_space<vmem>> -> memref<80xi32, #tpu.memory_space<vmem>>
    %dma_start3A_240 = arith.constant 0 : i32
    %dma_start3A_241 = arith.constant 0 : i32
    %dma_start3A_242 = tpu.memref_slice %arg11[%dma_start3A_240, %dma_start3A_241] : memref<10000x128xf32, #tpu.memory_space<vmem_shared>> -> memref<10000x128xf32, #tpu.memory_space<vmem_shared>>
    tpu.enqueue_indirect_dma source(%dma_start3A_236 : memref<80x128xf32, #tpu.memory_space<vmem>>) target(%dma_start3A_242 : memref<10000x128xf32, #tpu.memory_space<vmem_shared>>) offsets(%dma_start3A_239 : memref<80xi32, #tpu.memory_space<vmem>>) semaphore(%arg17 : memref<!tpu.dma_semaphore, #tpu.memory_space<semaphore_mem>>) {add = true}
    %dma_start3A_243 = arith.constant 1 : i32
    %dma_start3A_244 = arith.constant 0 : i32
    %dma_start3A_245 = tpu.memref_slice %arg8[%dma_start3A_243, %dma_start3A_244] : memref<3x80xi32, #tpu.memory_space<vmem>> -> memref<1x80xi32, #tpu.memory_space<vmem>>
    %dma_start3A_246 = tpu.memref_squeeze %dma_start3A_245 : memref<1x80xi32, #tpu.memory_space<vmem>> -> memref<80xi32, #tpu.memory_space<vmem>>
    %dma_start3A_247 = arith.constant 0 : i32
    %dma_start3A_248 = tpu.memref_slice %arg12[%dma_start3A_247] : memref<10000xf32, #tpu.memory_space<vmem_shared>> -> memref<10000xf32, #tpu.memory_space<vmem_shared>>
    tpu.enqueue_indirect_dma source(%arg10 : memref<80xf32, #tpu.memory_space<vmem>>) target(%dma_start3A_248 : memref<10000xf32, #tpu.memory_space<vmem_shared>>) offsets(%dma_start3A_246 : memref<80xi32, #tpu.memory_space<vmem>>) semaphore(%arg17 : memref<!tpu.dma_semaphore, #tpu.memory_space<semaphore_mem>>) {add = true}
    %dma_wait3A_249 = arith.constant 2 : i32
    %dma_wait3A_250 = arith.constant 0 : i32
    %dma_wait3A_251 = arith.constant 0 : i32
    %dma_wait3A_252 = tpu.memref_slice %arg9[%dma_wait3A_249, %dma_wait3A_250, %dma_wait3A_251] : memref<3x80x128xf32, #tpu.memory_space<vmem>> -> memref<1x80x128xf32, #tpu.memory_space<vmem>>
    %dma_wait3A_253 = tpu.memref_squeeze %dma_wait3A_252 : memref<1x80x128xf32, #tpu.memory_space<vmem>> -> memref<80x128xf32, #tpu.memory_space<vmem>>
    %dma_wait3A_254 = arith.constant 160 : i32
    %dma_wait3A_255 = tpu.memref_slice %arg7[%dma_wait3A_254] : memref<10000xi32, #tpu.memory_space<vmem>> -> memref<80xi32, #tpu.memory_space<vmem>>
    %dma_wait3A_256 = arith.constant 0 : i32
    %dma_wait3A_257 = arith.constant 0 : i32
    %dma_wait3A_258 = tpu.memref_slice %arg2[%dma_wait3A_256, %dma_wait3A_257] : memref<10000x128xf32, #tpu.memory_space<hbm>> -> memref<10000x128xf32, #tpu.memory_space<hbm>>
    tpu.wait_indirect_dma semaphore(%arg15 : memref<!tpu.dma_semaphore, #tpu.memory_space<semaphore_mem>>) src(%dma_wait3A_258 : memref<10000x128xf32, #tpu.memory_space<hbm>>) dst(%dma_wait3A_253 : memref<80x128xf32, #tpu.memory_space<vmem>>)
    %mul3A_259 = arith.constant 10000 : i32
    %mul3A_260 = arith.muli %add3A, %mul3A_259 : i32
    %add3A_261 = arith.constant 160 : i32
    %add3A_262 = arith.addi %mul3A_260, %add3A_261 : i32
    %dma_wait3A_263 = arith.constant 2 : i32
    %dma_wait3A_264 = arith.constant 0 : i32
    %dma_wait3A_265 = tpu.memref_slice %arg8[%dma_wait3A_263, %dma_wait3A_264] : memref<3x80xi32, #tpu.memory_space<vmem>> -> memref<1x80xi32, #tpu.memory_space<vmem>>
    %dma_wait3A_266 = tpu.memref_squeeze %dma_wait3A_265 : memref<1x80xi32, #tpu.memory_space<vmem>> -> memref<80xi32, #tpu.memory_space<vmem>>
    %dma_wait3A_267 = tpu.memref_slice %arg4[%add3A_262] : memref<320000xi32, #tpu.memory_space<hbm>> -> memref<80xi32, #tpu.memory_space<hbm>>
    %dma_wait3A_268 = arith.constant 0 : i32
    %dma_wait3A_269 = tpu.memref_slice %arg8[%dma_wait3A_263, %dma_wait3A_268] : memref<3x80xi32, #tpu.memory_space<vmem>> -> memref<1x80xi32, #tpu.memory_space<vmem>>
    %dma_wait3A_270 = tpu.memref_squeeze %dma_wait3A_269 : memref<1x80xi32, #tpu.memory_space<vmem>> -> memref<80xi32, #tpu.memory_space<vmem>>
    %dma_wait3A_271 = tpu.memref_slice %arg4[%add3A_262] : memref<320000xi32, #tpu.memory_space<hbm>> -> memref<80xi32, #tpu.memory_space<hbm>>
    tpu.wait_dma2 semaphore(%arg15 : memref<!tpu.dma_semaphore, #tpu.memory_space<semaphore_mem>>) src(%dma_wait3A_271 : memref<80xi32, #tpu.memory_space<hbm>>) dst(%dma_wait3A_270 : memref<80xi32, #tpu.memory_space<vmem>>)
    %dma_wait3A_272 = arith.constant 1 : i32
    %dma_wait3A_273 = arith.constant 1 : i32
    %dma_wait3A_274 = arith.constant 0 : i32
    %dma_wait3A_275 = arith.constant 0 : i32
    %dma_wait3A_276 = tpu.memref_slice %arg9[%dma_wait3A_272, %dma_wait3A_274, %dma_wait3A_275] : memref<3x80x128xf32, #tpu.memory_space<vmem>> -> memref<1x80x128xf32, #tpu.memory_space<vmem>>
    %dma_wait3A_277 = tpu.memref_squeeze %dma_wait3A_276 : memref<1x80x128xf32, #tpu.memory_space<vmem>> -> memref<80x128xf32, #tpu.memory_space<vmem>>
    %dma_wait3A_278 = arith.constant 0 : i32
    %dma_wait3A_279 = tpu.memref_slice %arg8[%dma_wait3A_273, %dma_wait3A_278] : memref<3x80xi32, #tpu.memory_space<vmem>> -> memref<1x80xi32, #tpu.memory_space<vmem>>
    %dma_wait3A_280 = tpu.memref_squeeze %dma_wait3A_279 : memref<1x80xi32, #tpu.memory_space<vmem>> -> memref<80xi32, #tpu.memory_space<vmem>>
    %dma_wait3A_281 = arith.constant 0 : i32
    %dma_wait3A_282 = arith.constant 0 : i32
    %dma_wait3A_283 = tpu.memref_slice %arg11[%dma_wait3A_281, %dma_wait3A_282] : memref<10000x128xf32, #tpu.memory_space<vmem_shared>> -> memref<10000x128xf32, #tpu.memory_space<vmem_shared>>
    tpu.wait_indirect_dma semaphore(%arg17 : memref<!tpu.dma_semaphore, #tpu.memory_space<semaphore_mem>>) src(%dma_wait3A_277 : memref<80x128xf32, #tpu.memory_space<vmem>>) dst(%dma_wait3A_283 : memref<10000x128xf32, #tpu.memory_space<vmem_shared>>)
    %dma_wait3A_284 = arith.constant 1 : i32
    %dma_wait3A_285 = arith.constant 0 : i32
    %dma_wait3A_286 = tpu.memref_slice %arg8[%dma_wait3A_284, %dma_wait3A_285] : memref<3x80xi32, #tpu.memory_space<vmem>> -> memref<1x80xi32, #tpu.memory_space<vmem>>
    %dma_wait3A_287 = tpu.memref_squeeze %dma_wait3A_286 : memref<1x80xi32, #tpu.memory_space<vmem>> -> memref<80xi32, #tpu.memory_space<vmem>>
    %dma_wait3A_288 = arith.constant 0 : i32
    %dma_wait3A_289 = tpu.memref_slice %arg12[%dma_wait3A_288] : memref<10000xf32, #tpu.memory_space<vmem_shared>> -> memref<10000xf32, #tpu.memory_space<vmem_shared>>
    tpu.wait_indirect_dma semaphore(%arg17 : memref<!tpu.dma_semaphore, #tpu.memory_space<semaphore_mem>>) src(%arg10 : memref<80xf32, #tpu.memory_space<vmem>>) dst(%dma_wait3A_289 : memref<10000xf32, #tpu.memory_space<vmem_shared>>)
    %dma_start3A_290 = arith.constant 1 : i32
    %dma_start3A_291 = arith.constant 0 : i32
    %dma_start3A_292 = arith.constant 0 : i32
    %dma_start3A_293 = tpu.memref_slice %arg9[%dma_start3A_290, %dma_start3A_291, %dma_start3A_292] : memref<3x80x128xf32, #tpu.memory_space<vmem>> -> memref<1x80x128xf32, #tpu.memory_space<vmem>>
    %dma_start3A_294 = tpu.memref_squeeze %dma_start3A_293 : memref<1x80x128xf32, #tpu.memory_space<vmem>> -> memref<80x128xf32, #tpu.memory_space<vmem>>
    %dma_start3A_295 = arith.constant 320 : i32
    %dma_start3A_296 = tpu.memref_slice %arg7[%dma_start3A_295] : memref<10000xi32, #tpu.memory_space<vmem>> -> memref<80xi32, #tpu.memory_space<vmem>>
    %dma_start3A_297 = arith.constant 0 : i32
    %dma_start3A_298 = arith.constant 0 : i32
    %dma_start3A_299 = tpu.memref_slice %arg2[%dma_start3A_297, %dma_start3A_298] : memref<10000x128xf32, #tpu.memory_space<hbm>> -> memref<10000x128xf32, #tpu.memory_space<hbm>>
    tpu.enqueue_indirect_dma source(%dma_start3A_299 : memref<10000x128xf32, #tpu.memory_space<hbm>>) target(%dma_start3A_294 : memref<80x128xf32, #tpu.memory_space<vmem>>) offsets(%dma_start3A_296 : memref<80xi32, #tpu.memory_space<vmem>>) semaphore(%arg14 : memref<!tpu.dma_semaphore, #tpu.memory_space<semaphore_mem>>)
    %mul3A_300 = arith.constant 10000 : i32
    %mul3A_301 = arith.muli %add3A, %mul3A_300 : i32
    %add3A_302 = arith.constant 320 : i32
    %add3A_303 = arith.addi %mul3A_301, %add3A_302 : i32
    %dma_start3A_304 = arith.constant 1 : i32
    %dma_start3A_305 = arith.constant 0 : i32
    %dma_start3A_306 = tpu.memref_slice %arg8[%dma_start3A_304, %dma_start3A_305] : memref<3x80xi32, #tpu.memory_space<vmem>> -> memref<1x80xi32, #tpu.memory_space<vmem>>
    %dma_start3A_307 = tpu.memref_squeeze %dma_start3A_306 : memref<1x80xi32, #tpu.memory_space<vmem>> -> memref<80xi32, #tpu.memory_space<vmem>>
    %dma_start3A_308 = tpu.memref_slice %arg4[%add3A_303] : memref<320000xi32, #tpu.memory_space<hbm>> -> memref<80xi32, #tpu.memory_space<hbm>>
    %dma_start3A_309 = arith.constant 0 : i32
    %dma_start3A_310 = tpu.memref_slice %arg8[%dma_start3A_304, %dma_start3A_309] : memref<3x80xi32, #tpu.memory_space<vmem>> -> memref<1x80xi32, #tpu.memory_space<vmem>>
    %dma_start3A_311 = tpu.memref_squeeze %dma_start3A_310 : memref<1x80xi32, #tpu.memory_space<vmem>> -> memref<80xi32, #tpu.memory_space<vmem>>
    %dma_start3A_312 = tpu.memref_slice %arg4[%add3A_303] : memref<320000xi32, #tpu.memory_space<hbm>> -> memref<80xi32, #tpu.memory_space<hbm>>
    tpu.enqueue_dma source(%dma_start3A_312 : memref<80xi32, #tpu.memory_space<hbm>>) target(%dma_start3A_311 : memref<80xi32, #tpu.memory_space<vmem>>) target_semaphore(%arg14 : memref<!tpu.dma_semaphore, #tpu.memory_space<semaphore_mem>>)
    %dma_start3A_313 = arith.constant 2 : i32
    %dma_start3A_314 = arith.constant 2 : i32
    %dma_start3A_315 = arith.constant 0 : i32
    %dma_start3A_316 = arith.constant 0 : i32
    %dma_start3A_317 = tpu.memref_slice %arg9[%dma_start3A_313, %dma_start3A_315, %dma_start3A_316] : memref<3x80x128xf32, #tpu.memory_space<vmem>> -> memref<1x80x128xf32, #tpu.memory_space<vmem>>
    %dma_start3A_318 = tpu.memref_squeeze %dma_start3A_317 : memref<1x80x128xf32, #tpu.memory_space<vmem>> -> memref<80x128xf32, #tpu.memory_space<vmem>>
    %dma_start3A_319 = arith.constant 0 : i32
    %dma_start3A_320 = tpu.memref_slice %arg8[%dma_start3A_314, %dma_start3A_319] : memref<3x80xi32, #tpu.memory_space<vmem>> -> memref<1x80xi32, #tpu.memory_space<vmem>>
    %dma_start3A_321 = tpu.memref_squeeze %dma_start3A_320 : memref<1x80xi32, #tpu.memory_space<vmem>> -> memref<80xi32, #tpu.memory_space<vmem>>
    %dma_start3A_322 = arith.constant 0 : i32
    %dma_start3A_323 = arith.constant 0 : i32
    %dma_start3A_324 = tpu.memref_slice %arg11[%dma_start3A_322, %dma_start3A_323] : memref<10000x128xf32, #tpu.memory_space<vmem_shared>> -> memref<10000x128xf32, #tpu.memory_space<vmem_shared>>
    tpu.enqueue_indirect_dma source(%dma_start3A_318 : memref<80x128xf32, #tpu.memory_space<vmem>>) target(%dma_start3A_324 : memref<10000x128xf32, #tpu.memory_space<vmem_shared>>) offsets(%dma_start3A_321 : memref<80xi32, #tpu.memory_space<vmem>>) semaphore(%arg18 : memref<!tpu.dma_semaphore, #tpu.memory_space<semaphore_mem>>) {add = true}
    %dma_start3A_325 = arith.constant 2 : i32
    %dma_start3A_326 = arith.constant 0 : i32
    %dma_start3A_327 = tpu.memref_slice %arg8[%dma_start3A_325, %dma_start3A_326] : memref<3x80xi32, #tpu.memory_space<vmem>> -> memref<1x80xi32, #tpu.memory_space<vmem>>
    %dma_start3A_328 = tpu.memref_squeeze %dma_start3A_327 : memref<1x80xi32, #tpu.memory_space<vmem>> -> memref<80xi32, #tpu.memory_space<vmem>>
    %dma_start3A_329 = arith.constant 0 : i32
    %dma_start3A_330 = tpu.memref_slice %arg12[%dma_start3A_329] : memref<10000xf32, #tpu.memory_space<vmem_shared>> -> memref<10000xf32, #tpu.memory_space<vmem_shared>>
    tpu.enqueue_indirect_dma source(%arg10 : memref<80xf32, #tpu.memory_space<vmem>>) target(%dma_start3A_330 : memref<10000xf32, #tpu.memory_space<vmem_shared>>) offsets(%dma_start3A_328 : memref<80xi32, #tpu.memory_space<vmem>>) semaphore(%arg18 : memref<!tpu.dma_semaphore, #tpu.memory_space<semaphore_mem>>) {add = true}
    %scan3A_331 = arith.constant 0 : i32
    %scan3A_332 = arith.constant 1 : i32
    %scan3A_333 = arith.constant 40 : i32
    %scan3A_334 = arith.addi %scan3A_332, %scan3A_333 : i32
    %scan3A_335 = arith.constant 1 : i32
    %scan3A_336 = scf.for %scan3A_487 = %scan3A_332 to %scan3A_334 step %scan3A_335 iter_args(%scan3A_488 = %scan3A_331) -> (i32)  : i32 {
      %mul3A_489 = arith.constant 3 : i32
      %mul3A_490 = arith.muli %mul3A_489, %scan3A_487 : i32
      %sub3A_491 = arith.constant 1 : i32
      %sub3A_492 = arith.subi %mul3A_490, %sub3A_491 : i32
      %dma_wait3A_493 = arith.constant 2 : i32
      %dma_wait3A_494 = arith.constant 2 : i32
      %dma_wait3A_495 = arith.constant 0 : i32
      %dma_wait3A_496 = arith.constant 0 : i32
      %dma_wait3A_497 = tpu.memref_slice %arg9[%dma_wait3A_493, %dma_wait3A_495, %dma_wait3A_496] : memref<3x80x128xf32, #tpu.memory_space<vmem>> -> memref<1x80x128xf32, #tpu.memory_space<vmem>>
      %dma_wait3A_498 = tpu.memref_squeeze %dma_wait3A_497 : memref<1x80x128xf32, #tpu.memory_space<vmem>> -> memref<80x128xf32, #tpu.memory_space<vmem>>
      %dma_wait3A_499 = arith.constant 0 : i32
      %dma_wait3A_500 = tpu.memref_slice %arg8[%dma_wait3A_494, %dma_wait3A_499] : memref<3x80xi32, #tpu.memory_space<vmem>> -> memref<1x80xi32, #tpu.memory_space<vmem>>
      %dma_wait3A_501 = tpu.memref_squeeze %dma_wait3A_500 : memref<1x80xi32, #tpu.memory_space<vmem>> -> memref<80xi32, #tpu.memory_space<vmem>>
      %dma_wait3A_502 = arith.constant 0 : i32
      %dma_wait3A_503 = arith.constant 0 : i32
      %dma_wait3A_504 = tpu.memref_slice %arg11[%dma_wait3A_502, %dma_wait3A_503] : memref<10000x128xf32, #tpu.memory_space<vmem_shared>> -> memref<10000x128xf32, #tpu.memory_space<vmem_shared>>
      tpu.wait_indirect_dma semaphore(%arg18 : memref<!tpu.dma_semaphore, #tpu.memory_space<semaphore_mem>>) src(%dma_wait3A_498 : memref<80x128xf32, #tpu.memory_space<vmem>>) dst(%dma_wait3A_504 : memref<10000x128xf32, #tpu.memory_space<vmem_shared>>)
      %dma_wait3A_505 = arith.constant 2 : i32
      %dma_wait3A_506 = arith.constant 0 : i32
      %dma_wait3A_507 = tpu.memref_slice %arg8[%dma_wait3A_505, %dma_wait3A_506] : memref<3x80xi32, #tpu.memory_space<vmem>> -> memref<1x80xi32, #tpu.memory_space<vmem>>
      %dma_wait3A_508 = tpu.memref_squeeze %dma_wait3A_507 : memref<1x80xi32, #tpu.memory_space<vmem>> -> memref<80xi32, #tpu.memory_space<vmem>>
      %dma_wait3A_509 = arith.constant 0 : i32
      %dma_wait3A_510 = tpu.memref_slice %arg12[%dma_wait3A_509] : memref<10000xf32, #tpu.memory_space<vmem_shared>> -> memref<10000xf32, #tpu.memory_space<vmem_shared>>
      tpu.wait_indirect_dma semaphore(%arg18 : memref<!tpu.dma_semaphore, #tpu.memory_space<semaphore_mem>>) src(%arg10 : memref<80xf32, #tpu.memory_space<vmem>>) dst(%dma_wait3A_510 : memref<10000xf32, #tpu.memory_space<vmem_shared>>)
      %add3A_511 = arith.constant 2 : i32
      %add3A_512 = arith.addi %mul3A_490, %add3A_511 : i32
      %mul3A_513 = arith.constant 80 : i32
      %mul3A_514 = arith.muli %add3A_512, %mul3A_513 : i32
      %dma_start3A_515 = arith.constant 2 : i32
      %dma_start3A_516 = arith.constant 0 : i32
      %dma_start3A_517 = arith.constant 0 : i32
      %dma_start3A_518 = tpu.memref_slice %arg9[%dma_start3A_515, %dma_start3A_516, %dma_start3A_517] : memref<3x80x128xf32, #tpu.memory_space<vmem>> -> memref<1x80x128xf32, #tpu.memory_space<vmem>>
      %dma_start3A_519 = tpu.memref_squeeze %dma_start3A_518 : memref<1x80x128xf32, #tpu.memory_space<vmem>> -> memref<80x128xf32, #tpu.memory_space<vmem>>
      %dma_start3A_520 = tpu.memref_slice %arg7[%mul3A_514] : memref<10000xi32, #tpu.memory_space<vmem>> -> memref<80xi32, #tpu.memory_space<vmem>>
      %dma_start3A_521 = arith.constant 0 : i32
      %dma_start3A_522 = arith.constant 0 : i32
      %dma_start3A_523 = tpu.memref_slice %arg2[%dma_start3A_521, %dma_start3A_522] : memref<10000x128xf32, #tpu.memory_space<hbm>> -> memref<10000x128xf32, #tpu.memory_space<hbm>>
      tpu.enqueue_indirect_dma source(%dma_start3A_523 : memref<10000x128xf32, #tpu.memory_space<hbm>>) target(%dma_start3A_519 : memref<80x128xf32, #tpu.memory_space<vmem>>) offsets(%dma_start3A_520 : memref<80xi32, #tpu.memory_space<vmem>>) semaphore(%arg15 : memref<!tpu.dma_semaphore, #tpu.memory_space<semaphore_mem>>)
      %mul3A_524 = arith.constant 10000 : i32
      %mul3A_525 = arith.muli %add3A, %mul3A_524 : i32
      %mul3A_526 = arith.constant 80 : i32
      %mul3A_527 = arith.muli %add3A_512, %mul3A_526 : i32
      %add3A_528 = arith.addi %mul3A_525, %mul3A_527 : i32
      %dma_start3A_529 = arith.constant 2 : i32
      %dma_start3A_530 = arith.constant 0 : i32
      %dma_start3A_531 = tpu.memref_slice %arg8[%dma_start3A_529, %dma_start3A_530] : memref<3x80xi32, #tpu.memory_space<vmem>> -> memref<1x80xi32, #tpu.memory_space<vmem>>
      %dma_start3A_532 = tpu.memref_squeeze %dma_start3A_531 : memref<1x80xi32, #tpu.memory_space<vmem>> -> memref<80xi32, #tpu.memory_space<vmem>>
      %dma_start3A_533 = tpu.memref_slice %arg4[%add3A_528] : memref<320000xi32, #tpu.memory_space<hbm>> -> memref<80xi32, #tpu.memory_space<hbm>>
      %dma_start3A_534 = arith.constant 0 : i32
      %dma_start3A_535 = tpu.memref_slice %arg8[%dma_start3A_529, %dma_start3A_534] : memref<3x80xi32, #tpu.memory_space<vmem>> -> memref<1x80xi32, #tpu.memory_space<vmem>>
      %dma_start3A_536 = tpu.memref_squeeze %dma_start3A_535 : memref<1x80xi32, #tpu.memory_space<vmem>> -> memref<80xi32, #tpu.memory_space<vmem>>
      %dma_start3A_537 = tpu.memref_slice %arg4[%add3A_528] : memref<320000xi32, #tpu.memory_space<hbm>> -> memref<80xi32, #tpu.memory_space<hbm>>
      tpu.enqueue_dma source(%dma_start3A_537 : memref<80xi32, #tpu.memory_space<hbm>>) target(%dma_start3A_536 : memref<80xi32, #tpu.memory_space<vmem>>) target_semaphore(%arg15 : memref<!tpu.dma_semaphore, #tpu.memory_space<semaphore_mem>>)
      %mul3A_538 = arith.constant 80 : i32
      %mul3A_539 = arith.muli %mul3A_490, %mul3A_538 : i32
      %dma_wait3A_540 = arith.constant 0 : i32
      %dma_wait3A_541 = arith.constant 0 : i32
      %dma_wait3A_542 = arith.constant 0 : i32
      %dma_wait3A_543 = tpu.memref_slice %arg9[%dma_wait3A_540, %dma_wait3A_541, %dma_wait3A_542] : memref<3x80x128xf32, #tpu.memory_space<vmem>> -> memref<1x80x128xf32, #tpu.memory_space<vmem>>
      %dma_wait3A_544 = tpu.memref_squeeze %dma_wait3A_543 : memref<1x80x128xf32, #tpu.memory_space<vmem>> -> memref<80x128xf32, #tpu.memory_space<vmem>>
      %dma_wait3A_545 = tpu.memref_slice %arg7[%mul3A_539] : memref<10000xi32, #tpu.memory_space<vmem>> -> memref<80xi32, #tpu.memory_space<vmem>>
      %dma_wait3A_546 = arith.constant 0 : i32
      %dma_wait3A_547 = arith.constant 0 : i32
      %dma_wait3A_548 = tpu.memref_slice %arg2[%dma_wait3A_546, %dma_wait3A_547] : memref<10000x128xf32, #tpu.memory_space<hbm>> -> memref<10000x128xf32, #tpu.memory_space<hbm>>
      tpu.wait_indirect_dma semaphore(%arg13 : memref<!tpu.dma_semaphore, #tpu.memory_space<semaphore_mem>>) src(%dma_wait3A_548 : memref<10000x128xf32, #tpu.memory_space<hbm>>) dst(%dma_wait3A_544 : memref<80x128xf32, #tpu.memory_space<vmem>>)
      %mul3A_549 = arith.constant 10000 : i32
      %mul3A_550 = arith.muli %add3A, %mul3A_549 : i32
      %mul3A_551 = arith.constant 80 : i32
      %mul3A_552 = arith.muli %mul3A_490, %mul3A_551 : i32
      %add3A_553 = arith.addi %mul3A_550, %mul3A_552 : i32
      %dma_wait3A_554 = arith.constant 0 : i32
      %dma_wait3A_555 = arith.constant 0 : i32
      %dma_wait3A_556 = tpu.memref_slice %arg8[%dma_wait3A_554, %dma_wait3A_555] : memref<3x80xi32, #tpu.memory_space<vmem>> -> memref<1x80xi32, #tpu.memory_space<vmem>>
      %dma_wait3A_557 = tpu.memref_squeeze %dma_wait3A_556 : memref<1x80xi32, #tpu.memory_space<vmem>> -> memref<80xi32, #tpu.memory_space<vmem>>
      %dma_wait3A_558 = tpu.memref_slice %arg4[%add3A_553] : memref<320000xi32, #tpu.memory_space<hbm>> -> memref<80xi32, #tpu.memory_space<hbm>>
      %dma_wait3A_559 = arith.constant 0 : i32
      %dma_wait3A_560 = tpu.memref_slice %arg8[%dma_wait3A_554, %dma_wait3A_559] : memref<3x80xi32, #tpu.memory_space<vmem>> -> memref<1x80xi32, #tpu.memory_space<vmem>>
      %dma_wait3A_561 = tpu.memref_squeeze %dma_wait3A_560 : memref<1x80xi32, #tpu.memory_space<vmem>> -> memref<80xi32, #tpu.memory_space<vmem>>
      %dma_wait3A_562 = tpu.memref_slice %arg4[%add3A_553] : memref<320000xi32, #tpu.memory_space<hbm>> -> memref<80xi32, #tpu.memory_space<hbm>>
      tpu.wait_dma2 semaphore(%arg13 : memref<!tpu.dma_semaphore, #tpu.memory_space<semaphore_mem>>) src(%dma_wait3A_562 : memref<80xi32, #tpu.memory_space<hbm>>) dst(%dma_wait3A_561 : memref<80xi32, #tpu.memory_space<vmem>>)
      %dma_start3A_563 = arith.constant 0 : i32
      %dma_start3A_564 = arith.constant 0 : i32
      %dma_start3A_565 = arith.constant 0 : i32
      %dma_start3A_566 = arith.constant 0 : i32
      %dma_start3A_567 = tpu.memref_slice %arg9[%dma_start3A_563, %dma_start3A_565, %dma_start3A_566] : memref<3x80x128xf32, #tpu.memory_space<vmem>> -> memref<1x80x128xf32, #tpu.memory_space<vmem>>
      %dma_start3A_568 = tpu.memref_squeeze %dma_start3A_567 : memref<1x80x128xf32, #tpu.memory_space<vmem>> -> memref<80x128xf32, #tpu.memory_space<vmem>>
      %dma_start3A_569 = arith.constant 0 : i32
      %dma_start3A_570 = tpu.memref_slice %arg8[%dma_start3A_564, %dma_start3A_569] : memref<3x80xi32, #tpu.memory_space<vmem>> -> memref<1x80xi32, #tpu.memory_space<vmem>>
      %dma_start3A_571 = tpu.memref_squeeze %dma_start3A_570 : memref<1x80xi32, #tpu.memory_space<vmem>> -> memref<80xi32, #tpu.memory_space<vmem>>
      %dma_start3A_572 = arith.constant 0 : i32
      %dma_start3A_573 = arith.constant 0 : i32
      %dma_start3A_574 = tpu.memref_slice %arg11[%dma_start3A_572, %dma_start3A_573] : memref<10000x128xf32, #tpu.memory_space<vmem_shared>> -> memref<10000x128xf32, #tpu.memory_space<vmem_shared>>
      tpu.enqueue_indirect_dma source(%dma_start3A_568 : memref<80x128xf32, #tpu.memory_space<vmem>>) target(%dma_start3A_574 : memref<10000x128xf32, #tpu.memory_space<vmem_shared>>) offsets(%dma_start3A_571 : memref<80xi32, #tpu.memory_space<vmem>>) semaphore(%arg16 : memref<!tpu.dma_semaphore, #tpu.memory_space<semaphore_mem>>) {add = true}
      %dma_start3A_575 = arith.constant 0 : i32
      %dma_start3A_576 = arith.constant 0 : i32
      %dma_start3A_577 = tpu.memref_slice %arg8[%dma_start3A_575, %dma_start3A_576] : memref<3x80xi32, #tpu.memory_space<vmem>> -> memref<1x80xi32, #tpu.memory_space<vmem>>
      %dma_start3A_578 = tpu.memref_squeeze %dma_start3A_577 : memref<1x80xi32, #tpu.memory_space<vmem>> -> memref<80xi32, #tpu.memory_space<vmem>>
      %dma_start3A_579 = arith.constant 0 : i32
      %dma_start3A_580 = tpu.memref_slice %arg12[%dma_start3A_579] : memref<10000xf32, #tpu.memory_space<vmem_shared>> -> memref<10000xf32, #tpu.memory_space<vmem_shared>>
      tpu.enqueue_indirect_dma source(%arg10 : memref<80xf32, #tpu.memory_space<vmem>>) target(%dma_start3A_580 : memref<10000xf32, #tpu.memory_space<vmem_shared>>) offsets(%dma_start3A_578 : memref<80xi32, #tpu.memory_space<vmem>>) semaphore(%arg16 : memref<!tpu.dma_semaphore, #tpu.memory_space<semaphore_mem>>) {add = true}
      %add3A_581 = arith.constant 1 : i32
      %add3A_582 = arith.addi %mul3A_490, %add3A_581 : i32
      %mul3A_583 = arith.constant 80 : i32
      %mul3A_584 = arith.muli %add3A_582, %mul3A_583 : i32
      %dma_wait3A_585 = arith.constant 1 : i32
      %dma_wait3A_586 = arith.constant 0 : i32
      %dma_wait3A_587 = arith.constant 0 : i32
      %dma_wait3A_588 = tpu.memref_slice %arg9[%dma_wait3A_585, %dma_wait3A_586, %dma_wait3A_587] : memref<3x80x128xf32, #tpu.memory_space<vmem>> -> memref<1x80x128xf32, #tpu.memory_space<vmem>>
      %dma_wait3A_589 = tpu.memref_squeeze %dma_wait3A_588 : memref<1x80x128xf32, #tpu.memory_space<vmem>> -> memref<80x128xf32, #tpu.memory_space<vmem>>
      %dma_wait3A_590 = tpu.memref_slice %arg7[%mul3A_584] : memref<10000xi32, #tpu.memory_space<vmem>> -> memref<80xi32, #tpu.memory_space<vmem>>
      %dma_wait3A_591 = arith.constant 0 : i32
      %dma_wait3A_592 = arith.constant 0 : i32
      %dma_wait3A_593 = tpu.memref_slice %arg2[%dma_wait3A_591, %dma_wait3A_592] : memref<10000x128xf32, #tpu.memory_space<hbm>> -> memref<10000x128xf32, #tpu.memory_space<hbm>>
      tpu.wait_indirect_dma semaphore(%arg14 : memref<!tpu.dma_semaphore, #tpu.memory_space<semaphore_mem>>) src(%dma_wait3A_593 : memref<10000x128xf32, #tpu.memory_space<hbm>>) dst(%dma_wait3A_589 : memref<80x128xf32, #tpu.memory_space<vmem>>)
      %mul3A_594 = arith.constant 10000 : i32
      %mul3A_595 = arith.muli %add3A, %mul3A_594 : i32
      %mul3A_596 = arith.constant 80 : i32
      %mul3A_597 = arith.muli %add3A_582, %mul3A_596 : i32
      %add3A_598 = arith.addi %mul3A_595, %mul3A_597 : i32
      %dma_wait3A_599 = arith.constant 1 : i32
      %dma_wait3A_600 = arith.constant 0 : i32
      %dma_wait3A_601 = tpu.memref_slice %arg8[%dma_wait3A_599, %dma_wait3A_600] : memref<3x80xi32, #tpu.memory_space<vmem>> -> memref<1x80xi32, #tpu.memory_space<vmem>>
      %dma_wait3A_602 = tpu.memref_squeeze %dma_wait3A_601 : memref<1x80xi32, #tpu.memory_space<vmem>> -> memref<80xi32, #tpu.memory_space<vmem>>
      %dma_wait3A_603 = tpu.memref_slice %arg4[%add3A_598] : memref<320000xi32, #tpu.memory_space<hbm>> -> memref<80xi32, #tpu.memory_space<hbm>>
      %dma_wait3A_604 = arith.constant 0 : i32
      %dma_wait3A_605 = tpu.memref_slice %arg8[%dma_wait3A_599, %dma_wait3A_604] : memref<3x80xi32, #tpu.memory_space<vmem>> -> memref<1x80xi32, #tpu.memory_space<vmem>>
      %dma_wait3A_606 = tpu.memref_squeeze %dma_wait3A_605 : memref<1x80xi32, #tpu.memory_space<vmem>> -> memref<80xi32, #tpu.memory_space<vmem>>
      %dma_wait3A_607 = tpu.memref_slice %arg4[%add3A_598] : memref<320000xi32, #tpu.memory_space<hbm>> -> memref<80xi32, #tpu.memory_space<hbm>>
      tpu.wait_dma2 semaphore(%arg14 : memref<!tpu.dma_semaphore, #tpu.memory_space<semaphore_mem>>) src(%dma_wait3A_607 : memref<80xi32, #tpu.memory_space<hbm>>) dst(%dma_wait3A_606 : memref<80xi32, #tpu.memory_space<vmem>>)
      %dma_wait3A_608 = arith.constant 0 : i32
      %dma_wait3A_609 = arith.constant 0 : i32
      %dma_wait3A_610 = arith.constant 0 : i32
      %dma_wait3A_611 = arith.constant 0 : i32
      %dma_wait3A_612 = tpu.memref_slice %arg9[%dma_wait3A_608, %dma_wait3A_610, %dma_wait3A_611] : memref<3x80x128xf32, #tpu.memory_space<vmem>> -> memref<1x80x128xf32, #tpu.memory_space<vmem>>
      %dma_wait3A_613 = tpu.memref_squeeze %dma_wait3A_612 : memref<1x80x128xf32, #tpu.memory_space<vmem>> -> memref<80x128xf32, #tpu.memory_space<vmem>>
      %dma_wait3A_614 = arith.constant 0 : i32
      %dma_wait3A_615 = tpu.memref_slice %arg8[%dma_wait3A_609, %dma_wait3A_614] : memref<3x80xi32, #tpu.memory_space<vmem>> -> memref<1x80xi32, #tpu.memory_space<vmem>>
      %dma_wait3A_616 = tpu.memref_squeeze %dma_wait3A_615 : memref<1x80xi32, #tpu.memory_space<vmem>> -> memref<80xi32, #tpu.memory_space<vmem>>
      %dma_wait3A_617 = arith.constant 0 : i32
      %dma_wait3A_618 = arith.constant 0 : i32
      %dma_wait3A_619 = tpu.memref_slice %arg11[%dma_wait3A_617, %dma_wait3A_618] : memref<10000x128xf32, #tpu.memory_space<vmem_shared>> -> memref<10000x128xf32, #tpu.memory_space<vmem_shared>>
      tpu.wait_indirect_dma semaphore(%arg16 : memref<!tpu.dma_semaphore, #tpu.memory_space<semaphore_mem>>) src(%dma_wait3A_613 : memref<80x128xf32, #tpu.memory_space<vmem>>) dst(%dma_wait3A_619 : memref<10000x128xf32, #tpu.memory_space<vmem_shared>>)
      %dma_wait3A_620 = arith.constant 0 : i32
      %dma_wait3A_621 = arith.constant 0 : i32
      %dma_wait3A_622 = tpu.memref_slice %arg8[%dma_wait3A_620, %dma_wait3A_621] : memref<3x80xi32, #tpu.memory_space<vmem>> -> memref<1x80xi32, #tpu.memory_space<vmem>>
      %dma_wait3A_623 = tpu.memref_squeeze %dma_wait3A_622 : memref<1x80xi32, #tpu.memory_space<vmem>> -> memref<80xi32, #tpu.memory_space<vmem>>
      %dma_wait3A_624 = arith.constant 0 : i32
      %dma_wait3A_625 = tpu.memref_slice %arg12[%dma_wait3A_624] : memref<10000xf32, #tpu.memory_space<vmem_shared>> -> memref<10000xf32, #tpu.memory_space<vmem_shared>>
      tpu.wait_indirect_dma semaphore(%arg16 : memref<!tpu.dma_semaphore, #tpu.memory_space<semaphore_mem>>) src(%arg10 : memref<80xf32, #tpu.memory_space<vmem>>) dst(%dma_wait3A_625 : memref<10000xf32, #tpu.memory_space<vmem_shared>>)
      %add3A_626 = arith.constant 3 : i32
      %add3A_627 = arith.addi %mul3A_490, %add3A_626 : i32
      %mul3A_628 = arith.constant 80 : i32
      %mul3A_629 = arith.muli %add3A_627, %mul3A_628 : i32
      %dma_start3A_630 = arith.constant 0 : i32
      %dma_start3A_631 = arith.constant 0 : i32
      %dma_start3A_632 = arith.constant 0 : i32
      %dma_start3A_633 = tpu.memref_slice %arg9[%dma_start3A_630, %dma_start3A_631, %dma_start3A_632] : memref<3x80x128xf32, #tpu.memory_space<vmem>> -> memref<1x80x128xf32, #tpu.memory_space<vmem>>
      %dma_start3A_634 = tpu.memref_squeeze %dma_start3A_633 : memref<1x80x128xf32, #tpu.memory_space<vmem>> -> memref<80x128xf32, #tpu.memory_space<vmem>>
      %dma_start3A_635 = tpu.memref_slice %arg7[%mul3A_629] : memref<10000xi32, #tpu.memory_space<vmem>> -> memref<80xi32, #tpu.memory_space<vmem>>
      %dma_start3A_636 = arith.constant 0 : i32
      %dma_start3A_637 = arith.constant 0 : i32
      %dma_start3A_638 = tpu.memref_slice %arg2[%dma_start3A_636, %dma_start3A_637] : memref<10000x128xf32, #tpu.memory_space<hbm>> -> memref<10000x128xf32, #tpu.memory_space<hbm>>
      tpu.enqueue_indirect_dma source(%dma_start3A_638 : memref<10000x128xf32, #tpu.memory_space<hbm>>) target(%dma_start3A_634 : memref<80x128xf32, #tpu.memory_space<vmem>>) offsets(%dma_start3A_635 : memref<80xi32, #tpu.memory_space<vmem>>) semaphore(%arg13 : memref<!tpu.dma_semaphore, #tpu.memory_space<semaphore_mem>>)
      %mul3A_639 = arith.constant 10000 : i32
      %mul3A_640 = arith.muli %add3A, %mul3A_639 : i32
      %mul3A_641 = arith.constant 80 : i32
      %mul3A_642 = arith.muli %add3A_627, %mul3A_641 : i32
      %add3A_643 = arith.addi %mul3A_640, %mul3A_642 : i32
      %dma_start3A_644 = arith.constant 0 : i32
      %dma_start3A_645 = arith.constant 0 : i32
      %dma_start3A_646 = tpu.memref_slice %arg8[%dma_start3A_644, %dma_start3A_645] : memref<3x80xi32, #tpu.memory_space<vmem>> -> memref<1x80xi32, #tpu.memory_space<vmem>>
      %dma_start3A_647 = tpu.memref_squeeze %dma_start3A_646 : memref<1x80xi32, #tpu.memory_space<vmem>> -> memref<80xi32, #tpu.memory_space<vmem>>
      %dma_start3A_648 = tpu.memref_slice %arg4[%add3A_643] : memref<320000xi32, #tpu.memory_space<hbm>> -> memref<80xi32, #tpu.memory_space<hbm>>
      %dma_start3A_649 = arith.constant 0 : i32
      %dma_start3A_650 = tpu.memref_slice %arg8[%dma_start3A_644, %dma_start3A_649] : memref<3x80xi32, #tpu.memory_space<vmem>> -> memref<1x80xi32, #tpu.memory_space<vmem>>
      %dma_start3A_651 = tpu.memref_squeeze %dma_start3A_650 : memref<1x80xi32, #tpu.memory_space<vmem>> -> memref<80xi32, #tpu.memory_space<vmem>>
      %dma_start3A_652 = tpu.memref_slice %arg4[%add3A_643] : memref<320000xi32, #tpu.memory_space<hbm>> -> memref<80xi32, #tpu.memory_space<hbm>>
      tpu.enqueue_dma source(%dma_start3A_652 : memref<80xi32, #tpu.memory_space<hbm>>) target(%dma_start3A_651 : memref<80xi32, #tpu.memory_space<vmem>>) target_semaphore(%arg13 : memref<!tpu.dma_semaphore, #tpu.memory_space<semaphore_mem>>)
      %add3A_653 = arith.constant 1 : i32
      %add3A_654 = arith.addi %mul3A_490, %add3A_653 : i32
      %dma_start3A_655 = arith.constant 1 : i32
      %dma_start3A_656 = arith.constant 1 : i32
      %dma_start3A_657 = arith.constant 0 : i32
      %dma_start3A_658 = arith.constant 0 : i32
      %dma_start3A_659 = tpu.memref_slice %arg9[%dma_start3A_655, %dma_start3A_657, %dma_start3A_658] : memref<3x80x128xf32, #tpu.memory_space<vmem>> -> memref<1x80x128xf32, #tpu.memory_space<vmem>>
      %dma_start3A_660 = tpu.memref_squeeze %dma_start3A_659 : memref<1x80x128xf32, #tpu.memory_space<vmem>> -> memref<80x128xf32, #tpu.memory_space<vmem>>
      %dma_start3A_661 = arith.constant 0 : i32
      %dma_start3A_662 = tpu.memref_slice %arg8[%dma_start3A_656, %dma_start3A_661] : memref<3x80xi32, #tpu.memory_space<vmem>> -> memref<1x80xi32, #tpu.memory_space<vmem>>
      %dma_start3A_663 = tpu.memref_squeeze %dma_start3A_662 : memref<1x80xi32, #tpu.memory_space<vmem>> -> memref<80xi32, #tpu.memory_space<vmem>>
      %dma_start3A_664 = arith.constant 0 : i32
      %dma_start3A_665 = arith.constant 0 : i32
      %dma_start3A_666 = tpu.memref_slice %arg11[%dma_start3A_664, %dma_start3A_665] : memref<10000x128xf32, #tpu.memory_space<vmem_shared>> -> memref<10000x128xf32, #tpu.memory_space<vmem_shared>>
      tpu.enqueue_indirect_dma source(%dma_start3A_660 : memref<80x128xf32, #tpu.memory_space<vmem>>) target(%dma_start3A_666 : memref<10000x128xf32, #tpu.memory_space<vmem_shared>>) offsets(%dma_start3A_663 : memref<80xi32, #tpu.memory_space<vmem>>) semaphore(%arg17 : memref<!tpu.dma_semaphore, #tpu.memory_space<semaphore_mem>>) {add = true}
      %dma_start3A_667 = arith.constant 1 : i32
      %dma_start3A_668 = arith.constant 0 : i32
      %dma_start3A_669 = tpu.memref_slice %arg8[%dma_start3A_667, %dma_start3A_668] : memref<3x80xi32, #tpu.memory_space<vmem>> -> memref<1x80xi32, #tpu.memory_space<vmem>>
      %dma_start3A_670 = tpu.memref_squeeze %dma_start3A_669 : memref<1x80xi32, #tpu.memory_space<vmem>> -> memref<80xi32, #tpu.memory_space<vmem>>
      %dma_start3A_671 = arith.constant 0 : i32
      %dma_start3A_672 = tpu.memref_slice %arg12[%dma_start3A_671] : memref<10000xf32, #tpu.memory_space<vmem_shared>> -> memref<10000xf32, #tpu.memory_space<vmem_shared>>
      tpu.enqueue_indirect_dma source(%arg10 : memref<80xf32, #tpu.memory_space<vmem>>) target(%dma_start3A_672 : memref<10000xf32, #tpu.memory_space<vmem_shared>>) offsets(%dma_start3A_670 : memref<80xi32, #tpu.memory_space<vmem>>) semaphore(%arg17 : memref<!tpu.dma_semaphore, #tpu.memory_space<semaphore_mem>>) {add = true}
      %add3A_673 = arith.constant 2 : i32
      %add3A_674 = arith.addi %mul3A_490, %add3A_673 : i32
      %mul3A_675 = arith.constant 80 : i32
      %mul3A_676 = arith.muli %add3A_674, %mul3A_675 : i32
      %dma_wait3A_677 = arith.constant 2 : i32
      %dma_wait3A_678 = arith.constant 0 : i32
      %dma_wait3A_679 = arith.constant 0 : i32
      %dma_wait3A_680 = tpu.memref_slice %arg9[%dma_wait3A_677, %dma_wait3A_678, %dma_wait3A_679] : memref<3x80x128xf32, #tpu.memory_space<vmem>> -> memref<1x80x128xf32, #tpu.memory_space<vmem>>
      %dma_wait3A_681 = tpu.memref_squeeze %dma_wait3A_680 : memref<1x80x128xf32, #tpu.memory_space<vmem>> -> memref<80x128xf32, #tpu.memory_space<vmem>>
      %dma_wait3A_682 = tpu.memref_slice %arg7[%mul3A_676] : memref<10000xi32, #tpu.memory_space<vmem>> -> memref<80xi32, #tpu.memory_space<vmem>>
      %dma_wait3A_683 = arith.constant 0 : i32
      %dma_wait3A_684 = arith.constant 0 : i32
      %dma_wait3A_685 = tpu.memref_slice %arg2[%dma_wait3A_683, %dma_wait3A_684] : memref<10000x128xf32, #tpu.memory_space<hbm>> -> memref<10000x128xf32, #tpu.memory_space<hbm>>
      tpu.wait_indirect_dma semaphore(%arg15 : memref<!tpu.dma_semaphore, #tpu.memory_space<semaphore_mem>>) src(%dma_wait3A_685 : memref<10000x128xf32, #tpu.memory_space<hbm>>) dst(%dma_wait3A_681 : memref<80x128xf32, #tpu.memory_space<vmem>>)
      %mul3A_686 = arith.constant 10000 : i32
      %mul3A_687 = arith.muli %add3A, %mul3A_686 : i32
      %mul3A_688 = arith.constant 80 : i32
      %mul3A_689 = arith.muli %add3A_674, %mul3A_688 : i32
      %add3A_690 = arith.addi %mul3A_687, %mul3A_689 : i32
      %dma_wait3A_691 = arith.constant 2 : i32
      %dma_wait3A_692 = arith.constant 0 : i32
      %dma_wait3A_693 = tpu.memref_slice %arg8[%dma_wait3A_691, %dma_wait3A_692] : memref<3x80xi32, #tpu.memory_space<vmem>> -> memref<1x80xi32, #tpu.memory_space<vmem>>
      %dma_wait3A_694 = tpu.memref_squeeze %dma_wait3A_693 : memref<1x80xi32, #tpu.memory_space<vmem>> -> memref<80xi32, #tpu.memory_space<vmem>>
      %dma_wait3A_695 = tpu.memref_slice %arg4[%add3A_690] : memref<320000xi32, #tpu.memory_space<hbm>> -> memref<80xi32, #tpu.memory_space<hbm>>
      %dma_wait3A_696 = arith.constant 0 : i32
      %dma_wait3A_697 = tpu.memref_slice %arg8[%dma_wait3A_691, %dma_wait3A_696] : memref<3x80xi32, #tpu.memory_space<vmem>> -> memref<1x80xi32, #tpu.memory_space<vmem>>
      %dma_wait3A_698 = tpu.memref_squeeze %dma_wait3A_697 : memref<1x80xi32, #tpu.memory_space<vmem>> -> memref<80xi32, #tpu.memory_space<vmem>>
      %dma_wait3A_699 = tpu.memref_slice %arg4[%add3A_690] : memref<320000xi32, #tpu.memory_space<hbm>> -> memref<80xi32, #tpu.memory_space<hbm>>
      tpu.wait_dma2 semaphore(%arg15 : memref<!tpu.dma_semaphore, #tpu.memory_space<semaphore_mem>>) src(%dma_wait3A_699 : memref<80xi32, #tpu.memory_space<hbm>>) dst(%dma_wait3A_698 : memref<80xi32, #tpu.memory_space<vmem>>)
      %add3A_700 = arith.constant 2 : i32
      %add3A_701 = arith.addi %mul3A_490, %add3A_700 : i32
      %dma_start3A_702 = arith.constant 2 : i32
      %dma_start3A_703 = arith.constant 2 : i32
      %dma_start3A_704 = arith.constant 0 : i32
      %dma_start3A_705 = arith.constant 0 : i32
      %dma_start3A_706 = tpu.memref_slice %arg9[%dma_start3A_702, %dma_start3A_704, %dma_start3A_705] : memref<3x80x128xf32, #tpu.memory_space<vmem>> -> memref<1x80x128xf32, #tpu.memory_space<vmem>>
      %dma_start3A_707 = tpu.memref_squeeze %dma_start3A_706 : memref<1x80x128xf32, #tpu.memory_space<vmem>> -> memref<80x128xf32, #tpu.memory_space<vmem>>
      %dma_start3A_708 = arith.constant 0 : i32
      %dma_start3A_709 = tpu.memref_slice %arg8[%dma_start3A_703, %dma_start3A_708] : memref<3x80xi32, #tpu.memory_space<vmem>> -> memref<1x80xi32, #tpu.memory_space<vmem>>
      %dma_start3A_710 = tpu.memref_squeeze %dma_start3A_709 : memref<1x80xi32, #tpu.memory_space<vmem>> -> memref<80xi32, #tpu.memory_space<vmem>>
      %dma_start3A_711 = arith.constant 0 : i32
      %dma_start3A_712 = arith.constant 0 : i32
      %dma_start3A_713 = tpu.memref_slice %arg11[%dma_start3A_711, %dma_start3A_712] : memref<10000x128xf32, #tpu.memory_space<vmem_shared>> -> memref<10000x128xf32, #tpu.memory_space<vmem_shared>>
      tpu.enqueue_indirect_dma source(%dma_start3A_707 : memref<80x128xf32, #tpu.memory_space<vmem>>) target(%dma_start3A_713 : memref<10000x128xf32, #tpu.memory_space<vmem_shared>>) offsets(%dma_start3A_710 : memref<80xi32, #tpu.memory_space<vmem>>) semaphore(%arg18 : memref<!tpu.dma_semaphore, #tpu.memory_space<semaphore_mem>>) {add = true}
      %dma_start3A_714 = arith.constant 2 : i32
      %dma_start3A_715 = arith.constant 0 : i32
      %dma_start3A_716 = tpu.memref_slice %arg8[%dma_start3A_714, %dma_start3A_715] : memref<3x80xi32, #tpu.memory_space<vmem>> -> memref<1x80xi32, #tpu.memory_space<vmem>>
      %dma_start3A_717 = tpu.memref_squeeze %dma_start3A_716 : memref<1x80xi32, #tpu.memory_space<vmem>> -> memref<80xi32, #tpu.memory_space<vmem>>
      %dma_start3A_718 = arith.constant 0 : i32
      %dma_start3A_719 = tpu.memref_slice %arg12[%dma_start3A_718] : memref<10000xf32, #tpu.memory_space<vmem_shared>> -> memref<10000xf32, #tpu.memory_space<vmem_shared>>
      tpu.enqueue_indirect_dma source(%arg10 : memref<80xf32, #tpu.memory_space<vmem>>) target(%dma_start3A_719 : memref<10000xf32, #tpu.memory_space<vmem_shared>>) offsets(%dma_start3A_717 : memref<80xi32, #tpu.memory_space<vmem>>) semaphore(%arg18 : memref<!tpu.dma_semaphore, #tpu.memory_space<semaphore_mem>>) {add = true}
      %add3A_720 = arith.constant 1 : i32
      %add3A_721 = arith.addi %mul3A_490, %add3A_720 : i32
      %dma_wait3A_722 = arith.constant 1 : i32
      %dma_wait3A_723 = arith.constant 1 : i32
      %dma_wait3A_724 = arith.constant 0 : i32
      %dma_wait3A_725 = arith.constant 0 : i32
      %dma_wait3A_726 = tpu.memref_slice %arg9[%dma_wait3A_722, %dma_wait3A_724, %dma_wait3A_725] : memref<3x80x128xf32, #tpu.memory_space<vmem>> -> memref<1x80x128xf32, #tpu.memory_space<vmem>>
      %dma_wait3A_727 = tpu.memref_squeeze %dma_wait3A_726 : memref<1x80x128xf32, #tpu.memory_space<vmem>> -> memref<80x128xf32, #tpu.memory_space<vmem>>
      %dma_wait3A_728 = arith.constant 0 : i32
      %dma_wait3A_729 = tpu.memref_slice %arg8[%dma_wait3A_723, %dma_wait3A_728] : memref<3x80xi32, #tpu.memory_space<vmem>> -> memref<1x80xi32, #tpu.memory_space<vmem>>
      %dma_wait3A_730 = tpu.memref_squeeze %dma_wait3A_729 : memref<1x80xi32, #tpu.memory_space<vmem>> -> memref<80xi32, #tpu.memory_space<vmem>>
      %dma_wait3A_731 = arith.constant 0 : i32
      %dma_wait3A_732 = arith.constant 0 : i32
      %dma_wait3A_733 = tpu.memref_slice %arg11[%dma_wait3A_731, %dma_wait3A_732] : memref<10000x128xf32, #tpu.memory_space<vmem_shared>> -> memref<10000x128xf32, #tpu.memory_space<vmem_shared>>
      tpu.wait_indirect_dma semaphore(%arg17 : memref<!tpu.dma_semaphore, #tpu.memory_space<semaphore_mem>>) src(%dma_wait3A_727 : memref<80x128xf32, #tpu.memory_space<vmem>>) dst(%dma_wait3A_733 : memref<10000x128xf32, #tpu.memory_space<vmem_shared>>)
      %dma_wait3A_734 = arith.constant 1 : i32
      %dma_wait3A_735 = arith.constant 0 : i32
      %dma_wait3A_736 = tpu.memref_slice %arg8[%dma_wait3A_734, %dma_wait3A_735] : memref<3x80xi32, #tpu.memory_space<vmem>> -> memref<1x80xi32, #tpu.memory_space<vmem>>
      %dma_wait3A_737 = tpu.memref_squeeze %dma_wait3A_736 : memref<1x80xi32, #tpu.memory_space<vmem>> -> memref<80xi32, #tpu.memory_space<vmem>>
      %dma_wait3A_738 = arith.constant 0 : i32
      %dma_wait3A_739 = tpu.memref_slice %arg12[%dma_wait3A_738] : memref<10000xf32, #tpu.memory_space<vmem_shared>> -> memref<10000xf32, #tpu.memory_space<vmem_shared>>
      tpu.wait_indirect_dma semaphore(%arg17 : memref<!tpu.dma_semaphore, #tpu.memory_space<semaphore_mem>>) src(%arg10 : memref<80xf32, #tpu.memory_space<vmem>>) dst(%dma_wait3A_739 : memref<10000xf32, #tpu.memory_space<vmem_shared>>)
      %add3A_740 = arith.constant 4 : i32
      %add3A_741 = arith.addi %mul3A_490, %add3A_740 : i32
      %mul3A_742 = arith.constant 80 : i32
      %mul3A_743 = arith.muli %add3A_741, %mul3A_742 : i32
      %dma_start3A_744 = arith.constant 1 : i32
      %dma_start3A_745 = arith.constant 0 : i32
      %dma_start3A_746 = arith.constant 0 : i32
      %dma_start3A_747 = tpu.memref_slice %arg9[%dma_start3A_744, %dma_start3A_745, %dma_start3A_746] : memref<3x80x128xf32, #tpu.memory_space<vmem>> -> memref<1x80x128xf32, #tpu.memory_space<vmem>>
      %dma_start3A_748 = tpu.memref_squeeze %dma_start3A_747 : memref<1x80x128xf32, #tpu.memory_space<vmem>> -> memref<80x128xf32, #tpu.memory_space<vmem>>
      %dma_start3A_749 = tpu.memref_slice %arg7[%mul3A_743] : memref<10000xi32, #tpu.memory_space<vmem>> -> memref<80xi32, #tpu.memory_space<vmem>>
      %dma_start3A_750 = arith.constant 0 : i32
      %dma_start3A_751 = arith.constant 0 : i32
      %dma_start3A_752 = tpu.memref_slice %arg2[%dma_start3A_750, %dma_start3A_751] : memref<10000x128xf32, #tpu.memory_space<hbm>> -> memref<10000x128xf32, #tpu.memory_space<hbm>>
      tpu.enqueue_indirect_dma source(%dma_start3A_752 : memref<10000x128xf32, #tpu.memory_space<hbm>>) target(%dma_start3A_748 : memref<80x128xf32, #tpu.memory_space<vmem>>) offsets(%dma_start3A_749 : memref<80xi32, #tpu.memory_space<vmem>>) semaphore(%arg14 : memref<!tpu.dma_semaphore, #tpu.memory_space<semaphore_mem>>)
      %mul3A_753 = arith.constant 10000 : i32
      %mul3A_754 = arith.muli %add3A, %mul3A_753 : i32
      %mul3A_755 = arith.constant 80 : i32
      %mul3A_756 = arith.muli %add3A_741, %mul3A_755 : i32
      %add3A_757 = arith.addi %mul3A_754, %mul3A_756 : i32
      %dma_start3A_758 = arith.constant 1 : i32
      %dma_start3A_759 = arith.constant 0 : i32
      %dma_start3A_760 = tpu.memref_slice %arg8[%dma_start3A_758, %dma_start3A_759] : memref<3x80xi32, #tpu.memory_space<vmem>> -> memref<1x80xi32, #tpu.memory_space<vmem>>
      %dma_start3A_761 = tpu.memref_squeeze %dma_start3A_760 : memref<1x80xi32, #tpu.memory_space<vmem>> -> memref<80xi32, #tpu.memory_space<vmem>>
      %dma_start3A_762 = tpu.memref_slice %arg4[%add3A_757] : memref<320000xi32, #tpu.memory_space<hbm>> -> memref<80xi32, #tpu.memory_space<hbm>>
      %dma_start3A_763 = arith.constant 0 : i32
      %dma_start3A_764 = tpu.memref_slice %arg8[%dma_start3A_758, %dma_start3A_763] : memref<3x80xi32, #tpu.memory_space<vmem>> -> memref<1x80xi32, #tpu.memory_space<vmem>>
      %dma_start3A_765 = tpu.memref_squeeze %dma_start3A_764 : memref<1x80xi32, #tpu.memory_space<vmem>> -> memref<80xi32, #tpu.memory_space<vmem>>
      %dma_start3A_766 = tpu.memref_slice %arg4[%add3A_757] : memref<320000xi32, #tpu.memory_space<hbm>> -> memref<80xi32, #tpu.memory_space<hbm>>
      tpu.enqueue_dma source(%dma_start3A_766 : memref<80xi32, #tpu.memory_space<hbm>>) target(%dma_start3A_765 : memref<80xi32, #tpu.memory_space<vmem>>) target_semaphore(%arg14 : memref<!tpu.dma_semaphore, #tpu.memory_space<semaphore_mem>>)
      %scan3A_767 = arith.constant 0 : i32
      scf.yield %scan3A_767 : i32
    }
    %scan3A_337 = arith.constant 40 : i32
    %dma_wait3A_338 = arith.constant 2 : i32
    %dma_wait3A_339 = arith.constant 2 : i32
    %dma_wait3A_340 = arith.constant 0 : i32
    %dma_wait3A_341 = arith.constant 0 : i32
    %dma_wait3A_342 = tpu.memref_slice %arg9[%dma_wait3A_338, %dma_wait3A_340, %dma_wait3A_341] : memref<3x80x128xf32, #tpu.memory_space<vmem>> -> memref<1x80x128xf32, #tpu.memory_space<vmem>>
    %dma_wait3A_343 = tpu.memref_squeeze %dma_wait3A_342 : memref<1x80x128xf32, #tpu.memory_space<vmem>> -> memref<80x128xf32, #tpu.memory_space<vmem>>
    %dma_wait3A_344 = arith.constant 0 : i32
    %dma_wait3A_345 = tpu.memref_slice %arg8[%dma_wait3A_339, %dma_wait3A_344] : memref<3x80xi32, #tpu.memory_space<vmem>> -> memref<1x80xi32, #tpu.memory_space<vmem>>
    %dma_wait3A_346 = tpu.memref_squeeze %dma_wait3A_345 : memref<1x80xi32, #tpu.memory_space<vmem>> -> memref<80xi32, #tpu.memory_space<vmem>>
    %dma_wait3A_347 = arith.constant 0 : i32
    %dma_wait3A_348 = arith.constant 0 : i32
    %dma_wait3A_349 = tpu.memref_slice %arg11[%dma_wait3A_347, %dma_wait3A_348] : memref<10000x128xf32, #tpu.memory_space<vmem_shared>> -> memref<10000x128xf32, #tpu.memory_space<vmem_shared>>
    tpu.wait_indirect_dma semaphore(%arg18 : memref<!tpu.dma_semaphore, #tpu.memory_space<semaphore_mem>>) src(%dma_wait3A_343 : memref<80x128xf32, #tpu.memory_space<vmem>>) dst(%dma_wait3A_349 : memref<10000x128xf32, #tpu.memory_space<vmem_shared>>)
    %dma_wait3A_350 = arith.constant 2 : i32
    %dma_wait3A_351 = arith.constant 0 : i32
    %dma_wait3A_352 = tpu.memref_slice %arg8[%dma_wait3A_350, %dma_wait3A_351] : memref<3x80xi32, #tpu.memory_space<vmem>> -> memref<1x80xi32, #tpu.memory_space<vmem>>
    %dma_wait3A_353 = tpu.memref_squeeze %dma_wait3A_352 : memref<1x80xi32, #tpu.memory_space<vmem>> -> memref<80xi32, #tpu.memory_space<vmem>>
    %dma_wait3A_354 = arith.constant 0 : i32
    %dma_wait3A_355 = tpu.memref_slice %arg12[%dma_wait3A_354] : memref<10000xf32, #tpu.memory_space<vmem_shared>> -> memref<10000xf32, #tpu.memory_space<vmem_shared>>
    tpu.wait_indirect_dma semaphore(%arg18 : memref<!tpu.dma_semaphore, #tpu.memory_space<semaphore_mem>>) src(%arg10 : memref<80xf32, #tpu.memory_space<vmem>>) dst(%dma_wait3A_355 : memref<10000xf32, #tpu.memory_space<vmem_shared>>)
    %dma_wait3A_356 = arith.constant 0 : i32
    %dma_wait3A_357 = arith.constant 0 : i32
    %dma_wait3A_358 = arith.constant 0 : i32
    %dma_wait3A_359 = tpu.memref_slice %arg9[%dma_wait3A_356, %dma_wait3A_357, %dma_wait3A_358] : memref<3x80x128xf32, #tpu.memory_space<vmem>> -> memref<1x80x128xf32, #tpu.memory_space<vmem>>
    %dma_wait3A_360 = tpu.memref_squeeze %dma_wait3A_359 : memref<1x80x128xf32, #tpu.memory_space<vmem>> -> memref<80x128xf32, #tpu.memory_space<vmem>>
    %dma_wait3A_361 = arith.constant 9840 : i32
    %dma_wait3A_362 = tpu.memref_slice %arg7[%dma_wait3A_361] : memref<10000xi32, #tpu.memory_space<vmem>> -> memref<80xi32, #tpu.memory_space<vmem>>
    %dma_wait3A_363 = arith.constant 0 : i32
    %dma_wait3A_364 = arith.constant 0 : i32
    %dma_wait3A_365 = tpu.memref_slice %arg2[%dma_wait3A_363, %dma_wait3A_364] : memref<10000x128xf32, #tpu.memory_space<hbm>> -> memref<10000x128xf32, #tpu.memory_space<hbm>>
    tpu.wait_indirect_dma semaphore(%arg13 : memref<!tpu.dma_semaphore, #tpu.memory_space<semaphore_mem>>) src(%dma_wait3A_365 : memref<10000x128xf32, #tpu.memory_space<hbm>>) dst(%dma_wait3A_360 : memref<80x128xf32, #tpu.memory_space<vmem>>)
    %mul3A_366 = arith.constant 10000 : i32
    %mul3A_367 = arith.muli %add3A, %mul3A_366 : i32
    %add3A_368 = arith.constant 9840 : i32
    %add3A_369 = arith.addi %mul3A_367, %add3A_368 : i32
    %dma_wait3A_370 = arith.constant 0 : i32
    %dma_wait3A_371 = arith.constant 0 : i32
    %dma_wait3A_372 = tpu.memref_slice %arg8[%dma_wait3A_370, %dma_wait3A_371] : memref<3x80xi32, #tpu.memory_space<vmem>> -> memref<1x80xi32, #tpu.memory_space<vmem>>
    %dma_wait3A_373 = tpu.memref_squeeze %dma_wait3A_372 : memref<1x80xi32, #tpu.memory_space<vmem>> -> memref<80xi32, #tpu.memory_space<vmem>>
    %dma_wait3A_374 = tpu.memref_slice %arg4[%add3A_369] : memref<320000xi32, #tpu.memory_space<hbm>> -> memref<80xi32, #tpu.memory_space<hbm>>
    %dma_wait3A_375 = arith.constant 0 : i32
    %dma_wait3A_376 = tpu.memref_slice %arg8[%dma_wait3A_370, %dma_wait3A_375] : memref<3x80xi32, #tpu.memory_space<vmem>> -> memref<1x80xi32, #tpu.memory_space<vmem>>
    %dma_wait3A_377 = tpu.memref_squeeze %dma_wait3A_376 : memref<1x80xi32, #tpu.memory_space<vmem>> -> memref<80xi32, #tpu.memory_space<vmem>>
    %dma_wait3A_378 = tpu.memref_slice %arg4[%add3A_369] : memref<320000xi32, #tpu.memory_space<hbm>> -> memref<80xi32, #tpu.memory_space<hbm>>
    tpu.wait_dma2 semaphore(%arg13 : memref<!tpu.dma_semaphore, #tpu.memory_space<semaphore_mem>>) src(%dma_wait3A_378 : memref<80xi32, #tpu.memory_space<hbm>>) dst(%dma_wait3A_377 : memref<80xi32, #tpu.memory_space<vmem>>)
    %dma_start3A_379 = arith.constant 0 : i32
    %dma_start3A_380 = arith.constant 0 : i32
    %dma_start3A_381 = arith.constant 0 : i32
    %dma_start3A_382 = arith.constant 0 : i32
    %dma_start3A_383 = tpu.memref_slice %arg9[%dma_start3A_379, %dma_start3A_381, %dma_start3A_382] : memref<3x80x128xf32, #tpu.memory_space<vmem>> -> memref<1x80x128xf32, #tpu.memory_space<vmem>>
    %dma_start3A_384 = tpu.memref_squeeze %dma_start3A_383 : memref<1x80x128xf32, #tpu.memory_space<vmem>> -> memref<80x128xf32, #tpu.memory_space<vmem>>
    %dma_start3A_385 = arith.constant 0 : i32
    %dma_start3A_386 = tpu.memref_slice %arg8[%dma_start3A_380, %dma_start3A_385] : memref<3x80xi32, #tpu.memory_space<vmem>> -> memref<1x80xi32, #tpu.memory_space<vmem>>
    %dma_start3A_387 = tpu.memref_squeeze %dma_start3A_386 : memref<1x80xi32, #tpu.memory_space<vmem>> -> memref<80xi32, #tpu.memory_space<vmem>>
    %dma_start3A_388 = arith.constant 0 : i32
    %dma_start3A_389 = arith.constant 0 : i32
    %dma_start3A_390 = tpu.memref_slice %arg11[%dma_start3A_388, %dma_start3A_389] : memref<10000x128xf32, #tpu.memory_space<vmem_shared>> -> memref<10000x128xf32, #tpu.memory_space<vmem_shared>>
    tpu.enqueue_indirect_dma source(%dma_start3A_384 : memref<80x128xf32, #tpu.memory_space<vmem>>) target(%dma_start3A_390 : memref<10000x128xf32, #tpu.memory_space<vmem_shared>>) offsets(%dma_start3A_387 : memref<80xi32, #tpu.memory_space<vmem>>) semaphore(%arg16 : memref<!tpu.dma_semaphore, #tpu.memory_space<semaphore_mem>>) {add = true}
    %dma_start3A_391 = arith.constant 0 : i32
    %dma_start3A_392 = arith.constant 0 : i32
    %dma_start3A_393 = tpu.memref_slice %arg8[%dma_start3A_391, %dma_start3A_392] : memref<3x80xi32, #tpu.memory_space<vmem>> -> memref<1x80xi32, #tpu.memory_space<vmem>>
    %dma_start3A_394 = tpu.memref_squeeze %dma_start3A_393 : memref<1x80xi32, #tpu.memory_space<vmem>> -> memref<80xi32, #tpu.memory_space<vmem>>
    %dma_start3A_395 = arith.constant 0 : i32
    %dma_start3A_396 = tpu.memref_slice %arg12[%dma_start3A_395] : memref<10000xf32, #tpu.memory_space<vmem_shared>> -> memref<10000xf32, #tpu.memory_space<vmem_shared>>
    tpu.enqueue_indirect_dma source(%arg10 : memref<80xf32, #tpu.memory_space<vmem>>) target(%dma_start3A_396 : memref<10000xf32, #tpu.memory_space<vmem_shared>>) offsets(%dma_start3A_394 : memref<80xi32, #tpu.memory_space<vmem>>) semaphore(%arg16 : memref<!tpu.dma_semaphore, #tpu.memory_space<semaphore_mem>>) {add = true}
    %dma_wait3A_397 = arith.constant 1 : i32
    %dma_wait3A_398 = arith.constant 0 : i32
    %dma_wait3A_399 = arith.constant 0 : i32
    %dma_wait3A_400 = tpu.memref_slice %arg9[%dma_wait3A_397, %dma_wait3A_398, %dma_wait3A_399] : memref<3x80x128xf32, #tpu.memory_space<vmem>> -> memref<1x80x128xf32, #tpu.memory_space<vmem>>
    %dma_wait3A_401 = tpu.memref_squeeze %dma_wait3A_400 : memref<1x80x128xf32, #tpu.memory_space<vmem>> -> memref<80x128xf32, #tpu.memory_space<vmem>>
    %dma_wait3A_402 = arith.constant 9920 : i32
    %dma_wait3A_403 = tpu.memref_slice %arg7[%dma_wait3A_402] : memref<10000xi32, #tpu.memory_space<vmem>> -> memref<80xi32, #tpu.memory_space<vmem>>
    %dma_wait3A_404 = arith.constant 0 : i32
    %dma_wait3A_405 = arith.constant 0 : i32
    %dma_wait3A_406 = tpu.memref_slice %arg2[%dma_wait3A_404, %dma_wait3A_405] : memref<10000x128xf32, #tpu.memory_space<hbm>> -> memref<10000x128xf32, #tpu.memory_space<hbm>>
    tpu.wait_indirect_dma semaphore(%arg14 : memref<!tpu.dma_semaphore, #tpu.memory_space<semaphore_mem>>) src(%dma_wait3A_406 : memref<10000x128xf32, #tpu.memory_space<hbm>>) dst(%dma_wait3A_401 : memref<80x128xf32, #tpu.memory_space<vmem>>)
    %mul3A_407 = arith.constant 10000 : i32
    %mul3A_408 = arith.muli %add3A, %mul3A_407 : i32
    %add3A_409 = arith.constant 9920 : i32
    %add3A_410 = arith.addi %mul3A_408, %add3A_409 : i32
    %dma_wait3A_411 = arith.constant 1 : i32
    %dma_wait3A_412 = arith.constant 0 : i32
    %dma_wait3A_413 = tpu.memref_slice %arg8[%dma_wait3A_411, %dma_wait3A_412] : memref<3x80xi32, #tpu.memory_space<vmem>> -> memref<1x80xi32, #tpu.memory_space<vmem>>
    %dma_wait3A_414 = tpu.memref_squeeze %dma_wait3A_413 : memref<1x80xi32, #tpu.memory_space<vmem>> -> memref<80xi32, #tpu.memory_space<vmem>>
    %dma_wait3A_415 = tpu.memref_slice %arg4[%add3A_410] : memref<320000xi32, #tpu.memory_space<hbm>> -> memref<80xi32, #tpu.memory_space<hbm>>
    %dma_wait3A_416 = arith.constant 0 : i32
    %dma_wait3A_417 = tpu.memref_slice %arg8[%dma_wait3A_411, %dma_wait3A_416] : memref<3x80xi32, #tpu.memory_space<vmem>> -> memref<1x80xi32, #tpu.memory_space<vmem>>
    %dma_wait3A_418 = tpu.memref_squeeze %dma_wait3A_417 : memref<1x80xi32, #tpu.memory_space<vmem>> -> memref<80xi32, #tpu.memory_space<vmem>>
    %dma_wait3A_419 = tpu.memref_slice %arg4[%add3A_410] : memref<320000xi32, #tpu.memory_space<hbm>> -> memref<80xi32, #tpu.memory_space<hbm>>
    tpu.wait_dma2 semaphore(%arg14 : memref<!tpu.dma_semaphore, #tpu.memory_space<semaphore_mem>>) src(%dma_wait3A_419 : memref<80xi32, #tpu.memory_space<hbm>>) dst(%dma_wait3A_418 : memref<80xi32, #tpu.memory_space<vmem>>)
    %dma_wait3A_420 = arith.constant 0 : i32
    %dma_wait3A_421 = arith.constant 0 : i32
    %dma_wait3A_422 = arith.constant 0 : i32
    %dma_wait3A_423 = arith.constant 0 : i32
    %dma_wait3A_424 = tpu.memref_slice %arg9[%dma_wait3A_420, %dma_wait3A_422, %dma_wait3A_423] : memref<3x80x128xf32, #tpu.memory_space<vmem>> -> memref<1x80x128xf32, #tpu.memory_space<vmem>>
    %dma_wait3A_425 = tpu.memref_squeeze %dma_wait3A_424 : memref<1x80x128xf32, #tpu.memory_space<vmem>> -> memref<80x128xf32, #tpu.memory_space<vmem>>
    %dma_wait3A_426 = arith.constant 0 : i32
    %dma_wait3A_427 = tpu.memref_slice %arg8[%dma_wait3A_421, %dma_wait3A_426] : memref<3x80xi32, #tpu.memory_space<vmem>> -> memref<1x80xi32, #tpu.memory_space<vmem>>
    %dma_wait3A_428 = tpu.memref_squeeze %dma_wait3A_427 : memref<1x80xi32, #tpu.memory_space<vmem>> -> memref<80xi32, #tpu.memory_space<vmem>>
    %dma_wait3A_429 = arith.constant 0 : i32
    %dma_wait3A_430 = arith.constant 0 : i32
    %dma_wait3A_431 = tpu.memref_slice %arg11[%dma_wait3A_429, %dma_wait3A_430] : memref<10000x128xf32, #tpu.memory_space<vmem_shared>> -> memref<10000x128xf32, #tpu.memory_space<vmem_shared>>
    tpu.wait_indirect_dma semaphore(%arg16 : memref<!tpu.dma_semaphore, #tpu.memory_space<semaphore_mem>>) src(%dma_wait3A_425 : memref<80x128xf32, #tpu.memory_space<vmem>>) dst(%dma_wait3A_431 : memref<10000x128xf32, #tpu.memory_space<vmem_shared>>)
    %dma_wait3A_432 = arith.constant 0 : i32
    %dma_wait3A_433 = arith.constant 0 : i32
    %dma_wait3A_434 = tpu.memref_slice %arg8[%dma_wait3A_432, %dma_wait3A_433] : memref<3x80xi32, #tpu.memory_space<vmem>> -> memref<1x80xi32, #tpu.memory_space<vmem>>
    %dma_wait3A_435 = tpu.memref_squeeze %dma_wait3A_434 : memref<1x80xi32, #tpu.memory_space<vmem>> -> memref<80xi32, #tpu.memory_space<vmem>>
    %dma_wait3A_436 = arith.constant 0 : i32
    %dma_wait3A_437 = tpu.memref_slice %arg12[%dma_wait3A_436] : memref<10000xf32, #tpu.memory_space<vmem_shared>> -> memref<10000xf32, #tpu.memory_space<vmem_shared>>
    tpu.wait_indirect_dma semaphore(%arg16 : memref<!tpu.dma_semaphore, #tpu.memory_space<semaphore_mem>>) src(%arg10 : memref<80xf32, #tpu.memory_space<vmem>>) dst(%dma_wait3A_437 : memref<10000xf32, #tpu.memory_space<vmem_shared>>)
    %dma_start3A_438 = arith.constant 1 : i32
    %dma_start3A_439 = arith.constant 1 : i32
    %dma_start3A_440 = arith.constant 0 : i32
    %dma_start3A_441 = arith.constant 0 : i32
    %dma_start3A_442 = tpu.memref_slice %arg9[%dma_start3A_438, %dma_start3A_440, %dma_start3A_441] : memref<3x80x128xf32, #tpu.memory_space<vmem>> -> memref<1x80x128xf32, #tpu.memory_space<vmem>>
    %dma_start3A_443 = tpu.memref_squeeze %dma_start3A_442 : memref<1x80x128xf32, #tpu.memory_space<vmem>> -> memref<80x128xf32, #tpu.memory_space<vmem>>
    %dma_start3A_444 = arith.constant 0 : i32
    %dma_start3A_445 = tpu.memref_slice %arg8[%dma_start3A_439, %dma_start3A_444] : memref<3x80xi32, #tpu.memory_space<vmem>> -> memref<1x80xi32, #tpu.memory_space<vmem>>
    %dma_start3A_446 = tpu.memref_squeeze %dma_start3A_445 : memref<1x80xi32, #tpu.memory_space<vmem>> -> memref<80xi32, #tpu.memory_space<vmem>>
    %dma_start3A_447 = arith.constant 0 : i32
    %dma_start3A_448 = arith.constant 0 : i32
    %dma_start3A_449 = tpu.memref_slice %arg11[%dma_start3A_447, %dma_start3A_448] : memref<10000x128xf32, #tpu.memory_space<vmem_shared>> -> memref<10000x128xf32, #tpu.memory_space<vmem_shared>>
    tpu.enqueue_indirect_dma source(%dma_start3A_443 : memref<80x128xf32, #tpu.memory_space<vmem>>) target(%dma_start3A_449 : memref<10000x128xf32, #tpu.memory_space<vmem_shared>>) offsets(%dma_start3A_446 : memref<80xi32, #tpu.memory_space<vmem>>) semaphore(%arg17 : memref<!tpu.dma_semaphore, #tpu.memory_space<semaphore_mem>>) {add = true}
    %dma_start3A_450 = arith.constant 1 : i32
    %dma_start3A_451 = arith.constant 0 : i32
    %dma_start3A_452 = tpu.memref_slice %arg8[%dma_start3A_450, %dma_start3A_451] : memref<3x80xi32, #tpu.memory_space<vmem>> -> memref<1x80xi32, #tpu.memory_space<vmem>>
    %dma_start3A_453 = tpu.memref_squeeze %dma_start3A_452 : memref<1x80xi32, #tpu.memory_space<vmem>> -> memref<80xi32, #tpu.memory_space<vmem>>
    %dma_start3A_454 = arith.constant 0 : i32
    %dma_start3A_455 = tpu.memref_slice %arg12[%dma_start3A_454] : memref<10000xf32, #tpu.memory_space<vmem_shared>> -> memref<10000xf32, #tpu.memory_space<vmem_shared>>
    tpu.enqueue_indirect_dma source(%arg10 : memref<80xf32, #tpu.memory_space<vmem>>) target(%dma_start3A_455 : memref<10000xf32, #tpu.memory_space<vmem_shared>>) offsets(%dma_start3A_453 : memref<80xi32, #tpu.memory_space<vmem>>) semaphore(%arg17 : memref<!tpu.dma_semaphore, #tpu.memory_space<semaphore_mem>>) {add = true}
    %dma_wait3A_456 = arith.constant 1 : i32
    %dma_wait3A_457 = arith.constant 1 : i32
    %dma_wait3A_458 = arith.constant 0 : i32
    %dma_wait3A_459 = arith.constant 0 : i32
    %dma_wait3A_460 = tpu.memref_slice %arg9[%dma_wait3A_456, %dma_wait3A_458, %dma_wait3A_459] : memref<3x80x128xf32, #tpu.memory_space<vmem>> -> memref<1x80x128xf32, #tpu.memory_space<vmem>>
    %dma_wait3A_461 = tpu.memref_squeeze %dma_wait3A_460 : memref<1x80x128xf32, #tpu.memory_space<vmem>> -> memref<80x128xf32, #tpu.memory_space<vmem>>
    %dma_wait3A_462 = arith.constant 0 : i32
    %dma_wait3A_463 = tpu.memref_slice %arg8[%dma_wait3A_457, %dma_wait3A_462] : memref<3x80xi32, #tpu.memory_space<vmem>> -> memref<1x80xi32, #tpu.memory_space<vmem>>
    %dma_wait3A_464 = tpu.memref_squeeze %dma_wait3A_463 : memref<1x80xi32, #tpu.memory_space<vmem>> -> memref<80xi32, #tpu.memory_space<vmem>>
    %dma_wait3A_465 = arith.constant 0 : i32
    %dma_wait3A_466 = arith.constant 0 : i32
    %dma_wait3A_467 = tpu.memref_slice %arg11[%dma_wait3A_465, %dma_wait3A_466] : memref<10000x128xf32, #tpu.memory_space<vmem_shared>> -> memref<10000x128xf32, #tpu.memory_space<vmem_shared>>
    tpu.wait_indirect_dma semaphore(%arg17 : memref<!tpu.dma_semaphore, #tpu.memory_space<semaphore_mem>>) src(%dma_wait3A_461 : memref<80x128xf32, #tpu.memory_space<vmem>>) dst(%dma_wait3A_467 : memref<10000x128xf32, #tpu.memory_space<vmem_shared>>)
    %dma_wait3A_468 = arith.constant 1 : i32
    %dma_wait3A_469 = arith.constant 0 : i32
    %dma_wait3A_470 = tpu.memref_slice %arg8[%dma_wait3A_468, %dma_wait3A_469] : memref<3x80xi32, #tpu.memory_space<vmem>> -> memref<1x80xi32, #tpu.memory_space<vmem>>
    %dma_wait3A_471 = tpu.memref_squeeze %dma_wait3A_470 : memref<1x80xi32, #tpu.memory_space<vmem>> -> memref<80xi32, #tpu.memory_space<vmem>>
    %dma_wait3A_472 = arith.constant 0 : i32
    %dma_wait3A_473 = tpu.memref_slice %arg12[%dma_wait3A_472] : memref<10000xf32, #tpu.memory_space<vmem_shared>> -> memref<10000xf32, #tpu.memory_space<vmem_shared>>
    tpu.wait_indirect_dma semaphore(%arg17 : memref<!tpu.dma_semaphore, #tpu.memory_space<semaphore_mem>>) src(%arg10 : memref<80xf32, #tpu.memory_space<vmem>>) dst(%dma_wait3A_473 : memref<10000xf32, #tpu.memory_space<vmem_shared>>)
    %barrier3A_474 = arith.constant 0 : index
    tpu.barrier barrier_id(%barrier3A_474)
    %while3A_475 = arith.constant 0 : i32
    %while3A_476 = arith.constant 0 : i32
    %while3A_477 = arith.subi %select_n3A, %while3A_475 : i32
    %while3A_478 = arith.addi %while3A_475, %while3A_477 : i32
    %while3A_479 = arith.constant 1 : i32
    %while3A_480 = arith.divsi %while3A_477, %while3A_479 : i32
    %while3A_481 = arith.muli %while3A_480, %while3A_479 : i32
    %while3A_482 = arith.addi %while3A_475, %while3A_481 : i32
    %while3A_483 = arith.constant 1 : i32
    %while3A_484 = scf.for %while3A_487 = %while3A_475 to %while3A_482 step %while3A_483 iter_args(%while3A_488 = %while3A_476) -> (i32)  : i32 {
      %mul3A_489 = arith.constant 16 : i32
      %mul3A_490 = arith.muli %while3A_487, %mul3A_489 : i32
      %add3A_491 = arith.addi %arg1, %mul3A_490 : i32
      %mul3A_492 = arith.constant 80 : i32
      %mul3A_493 = arith.muli %add3A_491, %mul3A_492 : i32
      "tpu.region"() ({
        %run_scoped3A = tpu.sem_alloc : memref<!tpu.dma_semaphore, #tpu.memory_space<semaphore_mem>>
        %dma_start3A_498 = arith.constant 0 : i32
        %dma_start3A_499 = tpu.memref_slice %arg5[%arg0, %mul3A_493, %dma_start3A_498] : memref<2x10000x128xf32, #tpu.memory_space<hbm>> -> memref<1x80x128xf32, #tpu.memory_space<hbm>>
        %dma_start3A_500 = tpu.memref_squeeze %dma_start3A_499 : memref<1x80x128xf32, #tpu.memory_space<hbm>> -> memref<80x128xf32, #tpu.memory_space<hbm>>
        %dma_start3A_501 = arith.constant 0 : i32
        %dma_start3A_502 = tpu.memref_slice %arg11[%mul3A_493, %dma_start3A_501] : memref<10000x128xf32, #tpu.memory_space<vmem_shared>> -> memref<80x128xf32, #tpu.memory_space<vmem_shared>>
        tpu.enqueue_dma source(%dma_start3A_502 : memref<80x128xf32, #tpu.memory_space<vmem_shared>>) target(%dma_start3A_500 : memref<80x128xf32, #tpu.memory_space<hbm>>) target_semaphore(%run_scoped3A : memref<!tpu.dma_semaphore, #tpu.memory_space<semaphore_mem>>)
        %dma_wait3A_503 = arith.constant 0 : i32
        %dma_wait3A_504 = tpu.memref_slice %arg5[%arg0, %mul3A_493, %dma_wait3A_503] : memref<2x10000x128xf32, #tpu.memory_space<hbm>> -> memref<1x80x128xf32, #tpu.memory_space<hbm>>
        %dma_wait3A_505 = tpu.memref_squeeze %dma_wait3A_504 : memref<1x80x128xf32, #tpu.memory_space<hbm>> -> memref<80x128xf32, #tpu.memory_space<hbm>>
        %dma_wait3A_506 = arith.constant 0 : i32
        %dma_wait3A_507 = tpu.memref_slice %arg11[%mul3A_493, %dma_wait3A_506] : memref<10000x128xf32, #tpu.memory_space<vmem_shared>> -> memref<80x128xf32, #tpu.memory_space<vmem_shared>>
        tpu.wait_dma2 semaphore(%run_scoped3A : memref<!tpu.dma_semaphore, #tpu.memory_space<semaphore_mem>>) src(%dma_wait3A_507 : memref<80x128xf32, #tpu.memory_space<vmem_shared>>) dst(%dma_wait3A_505 : memref<80x128xf32, #tpu.memory_space<hbm>>)
        tpu.yield
      }) : () -> ()
      "tpu.region"() ({
        %run_scoped3A = tpu.sem_alloc : memref<!tpu.dma_semaphore, #tpu.memory_space<semaphore_mem>>
        %dma_start3A_498 = tpu.memref_slice %arg12[%mul3A_493] : memref<10000xf32, #tpu.memory_space<vmem_shared>> -> memref<80xf32, #tpu.memory_space<vmem_shared>>
        %dma_start3A_499 = tpu.memref_slice %arg12[%mul3A_493] : memref<10000xf32, #tpu.memory_space<vmem_shared>> -> memref<80xf32, #tpu.memory_space<vmem_shared>>
        tpu.enqueue_dma source(%dma_start3A_499 : memref<80xf32, #tpu.memory_space<vmem_shared>>) target(%arg10 : memref<80xf32, #tpu.memory_space<vmem>>) target_semaphore(%run_scoped3A : memref<!tpu.dma_semaphore, #tpu.memory_space<semaphore_mem>>)
        %dma_wait3A_500 = tpu.memref_slice %arg12[%mul3A_493] : memref<10000xf32, #tpu.memory_space<vmem_shared>> -> memref<80xf32, #tpu.memory_space<vmem_shared>>
        %dma_wait3A_501 = tpu.memref_slice %arg12[%mul3A_493] : memref<10000xf32, #tpu.memory_space<vmem_shared>> -> memref<80xf32, #tpu.memory_space<vmem_shared>>
        tpu.wait_dma2 semaphore(%run_scoped3A : memref<!tpu.dma_semaphore, #tpu.memory_space<semaphore_mem>>) src(%dma_wait3A_501 : memref<80xf32, #tpu.memory_space<vmem_shared>>) dst(%arg10 : memref<80xf32, #tpu.memory_space<vmem>>)
        tpu.yield
      }) : () -> ()
      %mul3A_494 = arith.constant 10000 : i32
      %mul3A_495 = arith.muli %arg0, %mul3A_494 : i32
      %add3A_496 = arith.addi %mul3A_495, %mul3A_493 : i32
      "tpu.region"() ({
        %run_scoped3A = tpu.sem_alloc : memref<!tpu.dma_semaphore, #tpu.memory_space<semaphore_mem>>
        %dma_start3A_498 = tpu.memref_slice %arg6[%add3A_496] : memref<20000xf32, #tpu.memory_space<hbm>> -> memref<80xf32, #tpu.memory_space<hbm>>
        %dma_start3A_499 = tpu.memref_slice %arg6[%add3A_496] : memref<20000xf32, #tpu.memory_space<hbm>> -> memref<80xf32, #tpu.memory_space<hbm>>
        tpu.enqueue_dma source(%arg10 : memref<80xf32, #tpu.memory_space<vmem>>) target(%dma_start3A_499 : memref<80xf32, #tpu.memory_space<hbm>>) target_semaphore(%run_scoped3A : memref<!tpu.dma_semaphore, #tpu.memory_space<semaphore_mem>>)
        %dma_wait3A_500 = tpu.memref_slice %arg6[%add3A_496] : memref<20000xf32, #tpu.memory_space<hbm>> -> memref<80xf32, #tpu.memory_space<hbm>>
        %dma_wait3A_501 = tpu.memref_slice %arg6[%add3A_496] : memref<20000xf32, #tpu.memory_space<hbm>> -> memref<80xf32, #tpu.memory_space<hbm>>
        tpu.wait_dma2 semaphore(%run_scoped3A : memref<!tpu.dma_semaphore, #tpu.memory_space<semaphore_mem>>) src(%arg10 : memref<80xf32, #tpu.memory_space<vmem>>) dst(%dma_wait3A_501 : memref<80xf32, #tpu.memory_space<hbm>>)
        tpu.yield
      }) : () -> ()
      %while3A_497 = arith.constant 0 : i32
      scf.yield %while3A_497 : i32
    }
    %while3A_485 = arith.constant 1 : i32
    %while3A_486 = scf.for %while3A_487 = %while3A_482 to %while3A_478 step %while3A_485 iter_args(%while3A_488 = %while3A_484) -> (i32)  : i32 {
      %mul3A_489 = arith.constant 16 : i32
      %mul3A_490 = arith.muli %while3A_487, %mul3A_489 : i32
      %add3A_491 = arith.addi %arg1, %mul3A_490 : i32
      %mul3A_492 = arith.constant 80 : i32
      %mul3A_493 = arith.muli %add3A_491, %mul3A_492 : i32
      "tpu.region"() ({
        %run_scoped3A = tpu.sem_alloc : memref<!tpu.dma_semaphore, #tpu.memory_space<semaphore_mem>>
        %dma_start3A_498 = arith.constant 0 : i32
        %dma_start3A_499 = tpu.memref_slice %arg5[%arg0, %mul3A_493, %dma_start3A_498] : memref<2x10000x128xf32, #tpu.memory_space<hbm>> -> memref<1x80x128xf32, #tpu.memory_space<hbm>>
        %dma_start3A_500 = tpu.memref_squeeze %dma_start3A_499 : memref<1x80x128xf32, #tpu.memory_space<hbm>> -> memref<80x128xf32, #tpu.memory_space<hbm>>
        %dma_start3A_501 = arith.constant 0 : i32
        %dma_start3A_502 = tpu.memref_slice %arg11[%mul3A_493, %dma_start3A_501] : memref<10000x128xf32, #tpu.memory_space<vmem_shared>> -> memref<80x128xf32, #tpu.memory_space<vmem_shared>>
        tpu.enqueue_dma source(%dma_start3A_502 : memref<80x128xf32, #tpu.memory_space<vmem_shared>>) target(%dma_start3A_500 : memref<80x128xf32, #tpu.memory_space<hbm>>) target_semaphore(%run_scoped3A : memref<!tpu.dma_semaphore, #tpu.memory_space<semaphore_mem>>)
        %dma_wait3A_503 = arith.constant 0 : i32
        %dma_wait3A_504 = tpu.memref_slice %arg5[%arg0, %mul3A_493, %dma_wait3A_503] : memref<2x10000x128xf32, #tpu.memory_space<hbm>> -> memref<1x80x128xf32, #tpu.memory_space<hbm>>
        %dma_wait3A_505 = tpu.memref_squeeze %dma_wait3A_504 : memref<1x80x128xf32, #tpu.memory_space<hbm>> -> memref<80x128xf32, #tpu.memory_space<hbm>>
        %dma_wait3A_506 = arith.constant 0 : i32
        %dma_wait3A_507 = tpu.memref_slice %arg11[%mul3A_493, %dma_wait3A_506] : memref<10000x128xf32, #tpu.memory_space<vmem_shared>> -> memref<80x128xf32, #tpu.memory_space<vmem_shared>>
        tpu.wait_dma2 semaphore(%run_scoped3A : memref<!tpu.dma_semaphore, #tpu.memory_space<semaphore_mem>>) src(%dma_wait3A_507 : memref<80x128xf32, #tpu.memory_space<vmem_shared>>) dst(%dma_wait3A_505 : memref<80x128xf32, #tpu.memory_space<hbm>>)
        tpu.yield
      }) : () -> ()
      "tpu.region"() ({
        %run_scoped3A = tpu.sem_alloc : memref<!tpu.dma_semaphore, #tpu.memory_space<semaphore_mem>>
        %dma_start3A_498 = tpu.memref_slice %arg12[%mul3A_493] : memref<10000xf32, #tpu.memory_space<vmem_shared>> -> memref<80xf32, #tpu.memory_space<vmem_shared>>
        %dma_start3A_499 = tpu.memref_slice %arg12[%mul3A_493] : memref<10000xf32, #tpu.memory_space<vmem_shared>> -> memref<80xf32, #tpu.memory_space<vmem_shared>>
        tpu.enqueue_dma source(%dma_start3A_499 : memref<80xf32, #tpu.memory_space<vmem_shared>>) target(%arg10 : memref<80xf32, #tpu.memory_space<vmem>>) target_semaphore(%run_scoped3A : memref<!tpu.dma_semaphore, #tpu.memory_space<semaphore_mem>>)
        %dma_wait3A_500 = tpu.memref_slice %arg12[%mul3A_493] : memref<10000xf32, #tpu.memory_space<vmem_shared>> -> memref<80xf32, #tpu.memory_space<vmem_shared>>
        %dma_wait3A_501 = tpu.memref_slice %arg12[%mul3A_493] : memref<10000xf32, #tpu.memory_space<vmem_shared>> -> memref<80xf32, #tpu.memory_space<vmem_shared>>
        tpu.wait_dma2 semaphore(%run_scoped3A : memref<!tpu.dma_semaphore, #tpu.memory_space<semaphore_mem>>) src(%dma_wait3A_501 : memref<80xf32, #tpu.memory_space<vmem_shared>>) dst(%arg10 : memref<80xf32, #tpu.memory_space<vmem>>)
        tpu.yield
      }) : () -> ()
      %mul3A_494 = arith.constant 10000 : i32
      %mul3A_495 = arith.muli %arg0, %mul3A_494 : i32
      %add3A_496 = arith.addi %mul3A_495, %mul3A_493 : i32
      "tpu.region"() ({
        %run_scoped3A = tpu.sem_alloc : memref<!tpu.dma_semaphore, #tpu.memory_space<semaphore_mem>>
        %dma_start3A_498 = tpu.memref_slice %arg6[%add3A_496] : memref<20000xf32, #tpu.memory_space<hbm>> -> memref<80xf32, #tpu.memory_space<hbm>>
        %dma_start3A_499 = tpu.memref_slice %arg6[%add3A_496] : memref<20000xf32, #tpu.memory_space<hbm>> -> memref<80xf32, #tpu.memory_space<hbm>>
        tpu.enqueue_dma source(%arg10 : memref<80xf32, #tpu.memory_space<vmem>>) target(%dma_start3A_499 : memref<80xf32, #tpu.memory_space<hbm>>) target_semaphore(%run_scoped3A : memref<!tpu.dma_semaphore, #tpu.memory_space<semaphore_mem>>)
        %dma_wait3A_500 = tpu.memref_slice %arg6[%add3A_496] : memref<20000xf32, #tpu.memory_space<hbm>> -> memref<80xf32, #tpu.memory_space<hbm>>
        %dma_wait3A_501 = tpu.memref_slice %arg6[%add3A_496] : memref<20000xf32, #tpu.memory_space<hbm>> -> memref<80xf32, #tpu.memory_space<hbm>>
        tpu.wait_dma2 semaphore(%run_scoped3A : memref<!tpu.dma_semaphore, #tpu.memory_space<semaphore_mem>>) src(%arg10 : memref<80xf32, #tpu.memory_space<vmem>>) dst(%dma_wait3A_501 : memref<80xf32, #tpu.memory_space<hbm>>)
        tpu.yield
      }) : () -> ()
      %while3A_497 = arith.constant 0 : i32
      scf.yield %while3A_497 : i32
    }
    return
  }
}

module attributes {stable_mosaic.version = 14 : i64} {
  func.func @_pre_body(%arg0: i32, %arg1: memref<1xf32, #tpu.memory_space<smem>>, %arg2: memref<2000x128xf32, #tpu.memory_space<vmem>>, %arg3: memref<128x128xf32, #tpu.memory_space<vmem>>, %arg4: memref<1x128xf32, #tpu.memory_space<vmem>>, %arg5: memref<2000x128xf32, #tpu.memory_space<vmem>>) attributes {dimension_semantics = [#tpu.dimension_semantics<arbitrary>], iteration_bounds = array<i64: 5>, scalar_prefetch = 0 : i64, scratch_operands = 0 : i64, tpu.core_type = #tpu.core_type<tc>, window_params = [{transform_indices = @transform_0, window_bounds = array<i64: 1>}, {transform_indices = @transform_1, window_bounds = array<i64: 2000, 128>}, {pipeline_mode = #tpu.pipeline_mode<synchronous>, transform_indices = @transform_2, window_bounds = array<i64: 128, 128>}, {pipeline_mode = #tpu.pipeline_mode<synchronous>, transform_indices = @transform_3, window_bounds = array<i64: 1, 128>}, {transform_indices = @transform_4, window_bounds = array<i64: 2000, 128>}]} {
    %get3A = arith.constant 0 : index
    %get3A_0 = memref.load %arg1[%get3A] : memref<1xf32, #tpu.memory_space<smem>>
    %abs3A = math.absf %get3A_0 : f32
    %sqrt3A = math.sqrt %abs3A : f32
    %get3A_1 = arith.constant 0 : index
    %get3A_2 = arith.constant 0 : index
    %get3A_3 = vector.load %arg2[%get3A_1, %get3A_2] : memref<2000x128xf32, #tpu.memory_space<vmem>>, vector<2000x128xf32>
    %mul3A = arith.mulf %get3A_3, %get3A_3 : vector<2000x128xf32>
    %reduce_sum3A = arith.constant dense<0.000000e+00> : vector<2000xf32>
    %reduce_sum3A_4 = vector.multi_reduction <add>, %mul3A, %reduce_sum3A [1] : vector<2000x128xf32> to vector<2000xf32>
    %broadcast_in_dim3A = vector.shape_cast %reduce_sum3A_4 : vector<2000xf32> to vector<2000x1xf32>
    %sqrt3A_5 = math.sqrt %broadcast_in_dim3A : vector<2000x1xf32>
    %jit3A = arith.constant 1.000000e-15 : f32
    %max3A = vector.broadcast %jit3A : f32 to vector<2000x1xf32>
    %max3A_6 = arith.maximumf %max3A, %sqrt3A_5 : vector<2000x1xf32>
    %mul3A_7 = vector.broadcast %sqrt3A : f32 to vector<2000x1xf32>
    %mul3A_8 = arith.mulf %mul3A_7, %max3A_6 : vector<2000x1xf32>
    %jit3A_9 = arith.constant -0.999989986 : f32
    %jit3A_10 = arith.constant 0.999989986 : f32
    %max3A_11 = vector.broadcast %jit3A_9 : f32 to vector<2000x1xf32>
    %max3A_12 = arith.maximumf %max3A_11, %mul3A_8 : vector<2000x1xf32>
    %min3A = vector.broadcast %jit3A_10 : f32 to vector<2000x1xf32>
    %min3A_13 = arith.minimumf %min3A, %max3A_12 : vector<2000x1xf32>
    %log1p3A = math.log1p %min3A_13 : vector<2000x1xf32>
    %neg3A = arith.constant 0.000000e+00 : f32
    %neg3A_14 = vector.broadcast %neg3A : f32 to vector<2000x1xf32>
    %neg3A_15 = arith.subf %neg3A_14, %min3A_13 : vector<2000x1xf32>
    %log1p3A_16 = math.log1p %neg3A_15 : vector<2000x1xf32>
    %sub3A = arith.subf %log1p3A, %log1p3A_16 : vector<2000x1xf32>
    %mul3A_17 = arith.constant 5.000000e-01 : f32
    %mul3A_18 = vector.broadcast %mul3A_17 : f32 to vector<2000x1xf32>
    %mul3A_19 = arith.mulf %mul3A_18, %sub3A : vector<2000x1xf32>
    %mul3A_20 = vector.broadcast %mul3A_19 : vector<2000x1xf32> to vector<2000x128xf32>
    %mul3A_21 = arith.mulf %mul3A_20, %get3A_3 : vector<2000x128xf32>
    %mul3A_22 = vector.broadcast %sqrt3A : f32 to vector<2000x1xf32>
    %mul3A_23 = arith.mulf %mul3A_22, %max3A_6 : vector<2000x1xf32>
    %div3A = vector.broadcast %mul3A_23 : vector<2000x1xf32> to vector<2000x128xf32>
    %div3A_24 = arith.divf %mul3A_21, %div3A : vector<2000x128xf32>
    %get3A_25 = arith.constant 0 : index
    %get3A_26 = arith.constant 0 : index
    %get3A_27 = vector.load %arg3[%get3A_25, %get3A_26] : memref<128x128xf32, #tpu.memory_space<vmem>>, vector<128x128xf32>
    %dot_general3A = arith.constant dense<0.000000e+00> : vector<2000x128xf32>
    %dot_general3A_28 = tpu.matmul %div3A_24, %get3A_27, %dot_general3A {dimension_numbers = #tpu.dot_dimension_numbers<[1], [0], [0], [1], [0, 0, 1, 1], [], []>, transpose_lhs_hint = false} : vector<2000x128xf32>, vector<128x128xf32>, vector<2000x128xf32> -> vector<2000x128xf32>
    %get3A_29 = arith.constant 0 : index
    %get3A_30 = arith.constant 0 : index
    %get3A_31 = vector.load %arg4[%get3A_29, %get3A_30] : memref<1x128xf32, #tpu.memory_space<vmem>>, vector<1x128xf32>
    %add3A = vector.broadcast %get3A_31 : vector<1x128xf32> to vector<2000x128xf32>
    %add3A_32 = arith.addf %dot_general3A_28, %add3A : vector<2000x128xf32>
    %swap3A = arith.constant 0 : index
    %swap3A_33 = arith.constant 0 : index
    %swap3A_34 = vector.load %arg5[%swap3A, %swap3A_33] : memref<2000x128xf32, #tpu.memory_space<vmem>>, vector<2000x128xf32>
    tpu.vector_store %arg5[%swap3A, %swap3A_33], %add3A_32 {strides = array<i32>} : memref<2000x128xf32, #tpu.memory_space<vmem>>, vector<2000x128xf32>,
    return
  }
  func.func @transform_0(%arg0: i32) -> i32 {
    %c0_i32 = arith.constant 0 : i32
    %c0_i32_0 = arith.constant 0 : i32
    return %c0_i32 : i32
  }
  func.func @transform_1(%arg0: i32) -> (i32, i32) {
    %c0_i32 = arith.constant 0 : i32
    %c0_i32_0 = arith.constant 0 : i32
    return %arg0, %c0_i32 : i32, i32
  }
  func.func @transform_2(%arg0: i32) -> (i32, i32) {
    %c0_i32 = arith.constant 0 : i32
    %c0_i32_0 = arith.constant 0 : i32
    %c0_i32_1 = arith.constant 0 : i32
    return %c0_i32, %c0_i32_0 : i32, i32
  }
  func.func @transform_3(%arg0: i32) -> (i32, i32) {
    %c0_i32 = arith.constant 0 : i32
    %c0_i32_0 = arith.constant 0 : i32
    %c0_i32_1 = arith.constant 0 : i32
    return %c0_i32, %c0_i32_0 : i32, i32
  }
  func.func @transform_4(%arg0: i32) -> (i32, i32) {
    %c0_i32 = arith.constant 0 : i32
    %c0_i32_0 = arith.constant 0 : i32
    return %arg0, %c0_i32 : i32, i32
  }
}

module attributes {stable_mosaic.version = 14 : i64} {
  func.func @_post_body(%arg0: i32, %arg1: memref<1xf32, #tpu.memory_space<smem>>, %arg2: memref<2x2048x128xf32, #tpu.memory_space<vmem>>, %arg3: memref<2x10240xf32, #tpu.memory_space<vmem>>, %arg4: memref<2048x128xf32, #tpu.memory_space<vmem>>) attributes {dimension_semantics = [#tpu.dimension_semantics<arbitrary>], iteration_bounds = array<i64: 5>, scalar_prefetch = 0 : i64, scratch_operands = 0 : i64, tpu.core_type = #tpu.core_type<tc>, window_params = [{transform_indices = @transform_0, window_bounds = array<i64: 1>}, {transform_indices = @transform_1, window_bounds = array<i64: 2, 2048, 128>}, {pipeline_mode = #tpu.pipeline_mode<synchronous>, transform_indices = @transform_2, window_bounds = array<i64: 2, 10240>}, {transform_indices = @transform_3, window_bounds = array<i64: 2048, 128>}]} {
    %get3A = arith.constant 0 : index
    %get3A_0 = memref.load %arg1[%get3A] : memref<1xf32, #tpu.memory_space<smem>>
    %abs3A = math.absf %get3A_0 : f32
    %sqrt3A = math.sqrt %abs3A : f32
    %get3A_1 = arith.constant 0 : index
    %get3A_2 = arith.constant 0 : index
    %get3A_3 = arith.constant 0 : index
    %get3A_4 = vector.load %arg2[%get3A_1, %get3A_2, %get3A_3] : memref<2x2048x128xf32, #tpu.memory_space<vmem>>, vector<1x2048x128xf32>
    %get3A_5 = vector.shape_cast %get3A_4 : vector<1x2048x128xf32> to vector<2048x128xf32>
    %get3A_6 = arith.constant 1 : index
    %get3A_7 = arith.constant 0 : index
    %get3A_8 = arith.constant 0 : index
    %get3A_9 = vector.load %arg2[%get3A_6, %get3A_7, %get3A_8] : memref<2x2048x128xf32, #tpu.memory_space<vmem>>, vector<1x2048x128xf32>
    %get3A_10 = vector.shape_cast %get3A_9 : vector<1x2048x128xf32> to vector<2048x128xf32>
    %add3A = arith.addf %get3A_5, %get3A_10 : vector<2048x128xf32>
    %mul3A = arith.constant 2048 : i32
    %mul3A_11 = arith.muli %arg0, %mul3A : i32
    %get3A_12 = arith.constant 0 : index
    %get3A_13 = arith.index_cast %mul3A_11 : i32 to index
    %get3A_14 = vector.load %arg3[%get3A_12, %get3A_13] : memref<2x10240xf32, #tpu.memory_space<vmem>>, vector<1x2048xf32>
    %get3A_15 = vector.shape_cast %get3A_14 : vector<1x2048xf32> to vector<2048xf32>
    %mul3A_16 = arith.constant 2048 : i32
    %mul3A_17 = arith.muli %arg0, %mul3A_16 : i32
    %get3A_18 = arith.constant 1 : index
    %get3A_19 = arith.index_cast %mul3A_17 : i32 to index
    %get3A_20 = vector.load %arg3[%get3A_18, %get3A_19] : memref<2x10240xf32, #tpu.memory_space<vmem>>, vector<1x2048xf32>
    %get3A_21 = vector.shape_cast %get3A_20 : vector<1x2048xf32> to vector<2048xf32>
    %add3A_22 = arith.addf %get3A_15, %get3A_21 : vector<2048xf32>
    %broadcast_in_dim3A = vector.shape_cast %add3A_22 : vector<2048xf32> to vector<2048x1xf32>
    %gt3A = arith.constant 0.000000e+00 : f32
    %gt3A_23 = vector.broadcast %gt3A : f32 to vector<2048x1xf32>
    %gt3A_24 = arith.cmpf ogt, %broadcast_in_dim3A, %gt3A_23 : vector<2048x1xf32>
    %jit3A = arith.constant 1.000000e+00 : f32
    %max3A = vector.broadcast %jit3A : f32 to vector<2048x1xf32>
    %max3A_25 = arith.maximumf %max3A, %broadcast_in_dim3A : vector<2048x1xf32>
    %div3A = vector.broadcast %max3A_25 : vector<2048x1xf32> to vector<2048x128xf32>
    %div3A_26 = arith.divf %add3A, %div3A : vector<2048x128xf32>
    %jit3A_27 = arith.constant 0.000000e+00 : f32
    %broadcast_in_dim3A_28 = vector.shape_cast %gt3A_24 : vector<2048x1xi1> to vector<2048x1xi1>
    %broadcast_in_dim3A_29 = vector.broadcast %broadcast_in_dim3A_28 : vector<2048x1xi1> to vector<2048x128xi1>
    %broadcast_in_dim3A_30 = vector.broadcast %jit3A_27 : f32 to vector<2048x128xf32>
    %select_n3A = arith.select %broadcast_in_dim3A_29, %div3A_26, %broadcast_in_dim3A_30 : vector<2048x128xi1>, vector<2048x128xf32>
    %mul3A_31 = arith.mulf %select_n3A, %select_n3A : vector<2048x128xf32>
    %reduce_sum3A = arith.constant dense<0.000000e+00> : vector<2048xf32>
    %reduce_sum3A_32 = vector.multi_reduction <add>, %mul3A_31, %reduce_sum3A [1] : vector<2048x128xf32> to vector<2048xf32>
    %broadcast_in_dim3A_33 = vector.shape_cast %reduce_sum3A_32 : vector<2048xf32> to vector<2048x1xf32>
    %sqrt3A_34 = math.sqrt %broadcast_in_dim3A_33 : vector<2048x1xf32>
    %jit3A_35 = arith.constant 1.000000e-15 : f32
    %max3A_36 = vector.broadcast %jit3A_35 : f32 to vector<2048x1xf32>
    %max3A_37 = arith.maximumf %max3A_36, %sqrt3A_34 : vector<2048x1xf32>
    %mul3A_38 = vector.broadcast %sqrt3A : f32 to vector<2048x1xf32>
    %mul3A_39 = arith.mulf %mul3A_38, %max3A_37 : vector<2048x1xf32>
    %tanh3A = math.tanh %mul3A_39 : vector<2048x1xf32>
    %mul3A_40 = vector.broadcast %tanh3A : vector<2048x1xf32> to vector<2048x128xf32>
    %mul3A_41 = arith.mulf %mul3A_40, %select_n3A : vector<2048x128xf32>
    %mul3A_42 = vector.broadcast %sqrt3A : f32 to vector<2048x1xf32>
    %mul3A_43 = arith.mulf %mul3A_42, %max3A_37 : vector<2048x1xf32>
    %div3A_44 = vector.broadcast %mul3A_43 : vector<2048x1xf32> to vector<2048x128xf32>
    %div3A_45 = arith.divf %mul3A_41, %div3A_44 : vector<2048x128xf32>
    %swap3A = arith.constant 0 : index
    %swap3A_46 = arith.constant 0 : index
    %swap3A_47 = vector.load %arg4[%swap3A, %swap3A_46] : memref<2048x128xf32, #tpu.memory_space<vmem>>, vector<2048x128xf32>
    tpu.vector_store %arg4[%swap3A, %swap3A_46], %div3A_45 {strides = array<i32>} : memref<2048x128xf32, #tpu.memory_space<vmem>>, vector<2048x128xf32>,
    return
  }
  func.func @transform_0(%arg0: i32) -> i32 {
    %c0_i32 = arith.constant 0 : i32
    %c0_i32_0 = arith.constant 0 : i32
    return %c0_i32 : i32
  }
  func.func @transform_1(%arg0: i32) -> (i32, i32, i32) {
    %c0_i32 = arith.constant 0 : i32
    %c0_i32_0 = arith.constant 0 : i32
    %c0_i32_1 = arith.constant 0 : i32
    return %c0_i32, %arg0, %c0_i32_0 : i32, i32, i32
  }
  func.func @transform_2(%arg0: i32) -> (i32, i32) {
    %c0_i32 = arith.constant 0 : i32
    %c0_i32_0 = arith.constant 0 : i32
    %c0_i32_1 = arith.constant 0 : i32
    return %c0_i32, %c0_i32_0 : i32, i32
  }
  func.func @transform_3(%arg0: i32) -> (i32, i32) {
    %c0_i32 = arith.constant 0 : i32
    %c0_i32_0 = arith.constant 0 : i32
    return %arg0, %c0_i32 : i32, i32
  }
}

</mosaic_0001>

<sc_bundles>
// kernel: kernel.5.cloned.1.call-start
scs
__scs_entry_jumppad:
0x0: {  	(pc) =	sbr.rel $0x88, $3  }
0x1: {  	(tag) =	ssettag $0x0;
	lr =	simm.s32 $0x1  }
0x2: {  	[smem:$0x3F9C] =	sst lr;
	_ =	strace $0xD0000000  }
0x3: {  	_ = 	snop  }
0x4: {  	_ = 	snop  }
0x5: {  	_ = 	snop  }
0x6: {  	_ = 	snop  }
0x7: {  	_ = 	snop  }
__scs_overlays_trampoline_lowered:
0x8: {  	[smem:$0x3FAB] =	sst s0  }
0x9: {  	[smem:$0x3FAC] =	sst s1  }
0xa: {  	[smem:$0x3FAD] =	sst s2  }
0xb: {  	[smem:$0x3FAE] =	sst s3  }
0xc: {  	[smem:$0x3FAF] =	sst s4  }
0xd: {  	[smem:$0x3FB0] =	sst s5  }
0xe: {  	[smem:$0x3FB1] =	sst s6  }
0xf: {  	[smem:$0x3FB2] =	sst s7  }
0x10: {  	[smem:$0x3FB3] =	sst s8  }
0x11: {  	[smem:$0x3FB4] =	sst s9;
	s0 =	simm.s32 @!p0 $0x0  }
0x12: {  	s1 =	sld [smem:$0x3F9A];
	s0 =	simm.s32 @p0 $0x1  }
0x13: {  	[smem:$0x3FB5] =	sst s0;
	s0 =	simm.s32 @!p1 $0x0  }
0x14: {  	s2 =	sld [smem:$0x3F99];
	s0 =	simm.s32 @p1 $0x1  }
0x15: {  	[smem:$0x3FB6] =	sst s0;
	s0 =	simm.s32 @!p2 $0x0  }
0x16: {  	s3 =	sld [smem:$0x3FDB];
	s0 =	simm.s32 @p2 $0x1  }
0x17: {  	s4 =	simm.s32 $0x1BF5;
	[smem:$0x3FB8] =	sst s0  }
0x18: {  	s0 =	sld [smem:$0x3F9B];
	_ =	swait.ge [sflag:s4], $0x0  }
0x19: {  	s7 =	sld [smem:$0x3F9C]  }
0x1a: {  	s8 =	sadd.s32 $0xFFFFE003, lr  }
0x1b: {  	s9 =	sadd.s32 $0xFFFFFEF7, lr;
	s5 =	simm.s32 $0xFFFFFFFF;
	p2 =	slt.u32 s8, $0xFFFFF086  }
0x1c: {  	p1 =	slt.u32 s9, $0xF7A;
	s5 =	simm.s32 @!p2 $0x0  }
0x1d: {  	s5 =	simm.s32 @p1 $0x1;
	p0 =	seq.s32 s7, s2  }
0x1e: {  	s7 =	smul.u32 @!p0 $0xF7A, s2;
	p2 =	seq.s32 @!p0 s5, $0x0  }
0x1f: {  	s9 =	smul.u32 $0xF7A, s1;
	s8 =	simm.s32 @!p0 $0x1BF5;
	p2 =	por !p2, p0  }
0x20: {  	[sflag:s8] =	ssyncset.s32 @!p0 $0xFFFFF086;
	s6 =	sadd.s32 @!p0 s3, s7;
	s7 =	simm.s32 @!p0 $0x108  }
0x21: {  	s3 =	sadd.s32 s3, s9;
	s6 =	sadd.s32 @!p0 $0x88, s6;
	s7 =	simm.s32 @p2 $0x1082  }
0x22: {  	[simem:s7], [sflag:s8] =	dma.local @!p0 [hbm:s6], $0xF7A  }
0x23: {  	s9 =	sor.u32 $0xD0000000, s2;
	s6 =	simm.s32 $0x108;
	_ =	swait.ge @!p0 [sflag:s8], $0x0  }
0x24: {  	s3 =	sadd.s32 $0x88, s3;
	s6 =	simm.s32 @!p1 $0x1082;
	[sflag:s4] =	ssyncset.s32 $0xFFFFF086  }
0x25: {  	[simem:s6], [sflag:s4] =	dma.local [hbm:s3], $0xF7A  }
0x26: {  	[smem:$0x3F9C] =	sst s1;
	(tag) =	ssettag s2;
	_ =	strace s9  }
0x27: {  	s1 =	sld [smem:$0x3FAC]  }
0x28: {  	s2 =	sld [smem:$0x3FAD]  }
0x29: {  	s4 =	sld [smem:$0x3FAF]  }
0x2a: {  	p0 =	seq.s32 s5, $0x0;
	s5 =	sld [smem:$0x3FB0]  }
0x2b: {  	s6 =	sld [smem:$0x3FB1]  }
0x2c: {  	s7 =	sld [smem:$0x3FB2]  }
0x2d: {  	s3 =	simm.s32 $0x108;
	s8 =	sld [smem:$0x3FB3]  }
0x2e: {  	s3 =	simm.s32 @!p0 $0x1082;
	s9 =	sld [smem:$0x3FB4]  }
0x2f: {  	lr =	sadd.s32 s0, s3;
	s0 =	sld [smem:$0x3FAB]  }
0x30: {  	s3 =	sld [smem:$0x3FAE]  }
0x31: {  	[smem:$0x3FB7] =	sst s10  }
0x32: {  	s10 =	sld [smem:$0x3FB5];
	_ =	sdelay $0x3  }
0x33: {  	p0 =	seq.s32 s10, $0x1;
	s10 =	sld [smem:$0x3FB7];
	_ =	sdelay $0x3  }
0x34: {  	[smem:$0x3FB7] =	sst s10  }
0x35: {  	s10 =	sld [smem:$0x3FB6];
	_ =	sdelay $0x3  }
0x36: {  	p1 =	seq.s32 s10, $0x1;
	s10 =	sld [smem:$0x3FB7];
	_ =	sdelay $0x3  }
0x37: {  	[smem:$0x3FB7] =	sst s10  }
0x38: {  	s10 =	sld [smem:$0x3FB8]  }
0x39: {  	_ = 	snop;
	(pc) =	sbr.ind lr, $3  }
0x3a: {  	_ = 	snop  }
0x3b: {  	_ = 	snop  }
0x3c: {  	p2 =	seq.s32 s10, $0x1;
	s10 =	sld [smem:$0x3FB7]  }
0x3d: {  	_ =	shalt  }
0x3e: {  	_ =	shalt  }
0x3f: {  	_ =	shalt  }
0x40: {  	_ =	shalt  }
0x41: {  	_ =	shalt  }
0x42: {  	_ =	shalt  }
0x43: {  	_ =	shalt  }
0x44: {  	_ =	shalt  }
0x45: {  	_ =	shalt  }
0x46: {  	_ =	shalt  }
0x47: {  	_ =	shalt  }
0x48: {  	_ =	shalt  }
0x49: {  	_ =	shalt  }
0x4a: {  	_ =	shalt  }
0x4b: {  	_ =	shalt  }
0x4c: {  	_ =	shalt  }
0x4d: {  	_ =	shalt  }
0x4e: {  	_ =	shalt  }
0x4f: {  	_ =	shalt  }
0x50: {  	_ =	shalt  }
0x51: {  	_ =	shalt  }
0x52: {  	_ =	shalt  }
0x53: {  	_ =	shalt  }
0x54: {  	_ =	shalt  }
0x55: {  	_ =	shalt  }
0x56: {  	_ =	shalt  }
0x57: {  	_ =	shalt  }
0x58: {  	_ =	shalt  }
0x59: {  	_ =	shalt  }
0x5a: {  	_ =	shalt  }
0x5b: {  	_ =	shalt  }
0x5c: {  	_ =	shalt  }
0x5d: {  	_ =	shalt  }
0x5e: {  	_ =	shalt  }
0x5f: {  	_ =	shalt  }
0x60: {  	_ =	shalt  }
0x61: {  	_ =	shalt  }
0x62: {  	_ =	shalt  }
0x63: {  	_ =	shalt  }
0x64: {  	_ =	shalt  }
0x65: {  	_ =	shalt  }
0x66: {  	_ =	shalt  }
0x67: {  	_ =	shalt  }
0x68: {  	_ =	shalt  }
0x69: {  	_ =	shalt  }
0x6a: {  	_ =	shalt  }
0x6b: {  	_ =	shalt  }
0x6c: {  	_ =	shalt  }
0x6d: {  	_ =	shalt  }
0x6e: {  	_ =	shalt  }
0x6f: {  	_ =	shalt  }
0x70: {  	_ =	shalt  }
0x71: {  	_ =	shalt  }
0x72: {  	_ =	shalt  }
0x73: {  	_ =	shalt  }
0x74: {  	_ =	shalt  }
0x75: {  	_ =	shalt  }
0x76: {  	_ =	shalt  }
0x77: {  	_ =	shalt  }
0x78: {  	_ =	shalt  }
0x79: {  	_ =	shalt  }
0x7a: {  	_ =	shalt  }
0x7b: {  	_ =	shalt  }
0x7c: {  	_ =	shalt  }
0x7d: {  	_ =	shalt  }
0x7e: {  	_ =	shalt  }
0x7f: {  	_ =	shalt  }
0x80: {  	_ =	shalt  }
0x81: {  	_ =	shalt  }
0x82: {  	_ =	shalt  }
0x83: {  	_ =	shalt  }
0x84: {  	_ =	shalt  }
0x85: {  	_ =	shalt  }
0x86: {  	_ =	shalt  }
0x87: {  	_ =	shalt  }
.Lfunc_end0:
.L_simem_size_0:
called_computation_lowered:
.L_overlay_start_0:
0x88: {  	s2 =	sld [smem:$0x3FD9]  }
0x89: {  	s3 =	sld [smem:$0x3FFE];
	_ =	sdelay $0x1  }
0x8a: {  	s1 =	srdreg.scid  }
0x8b: {  	s0 =	sand.u32 $0x1, s1  }
0x8c: {  	s17 =	sshll.u32 s0, $0xA;
	s2 =	sadd.s32 s3, s2  }
0x8d: {  	s2 =	sadd.s32 s2, s17  }
0x8e: {  	[smem:$0x3FC3] =	sst s2  }
0x8f: {  	_ = 	snop  }
0x90: {  	s2 =	sld [smem:$0x3FD0];
	(tm) =	ssettm $0x1  }
0x91: {  	s18 =	sld [smem:$0x3FFB];
	_ =	sdelay $0x3  }
0x92: {  	_ =	strace s18  }
0x93: {  	s3 =	sld [smem:$0x3FFC];
	_ =	sdelay $0x3  }
0x94: {  	_ =	strace s3  }
0x95: {  	s3 =	sld [smem:$0x3FFD];
	_ =	sdelay $0x3  }
0x96: {  	_ =	strace s3  }
0x97: {  	_ =	strace $0x8FFFFFFF  }
0x98: {  	s19 =	sld [smem:$0x3FDB];
	_ =	sdelay $0x1  }
0x99: {  	s4 =	simm.s32 $_scs_section_size  }
0x9a: {  	s5 =	simm.s32 $_size__tile_overlayer_lowered;
	s6 =	simm.s32 $_tile_overlayer_lowered  }
0x9b: {  	s22 =	simm.s32 $0x1BFF;
	s21 =	sshll.u32 s6, $0x1;
	s3 =	sadd.s32 s4, s19  }
0x9c: {  	s7 =	simm.s32 $0x0;
	s20 =	sshll.u32 s5, $0x1;
	s5 =	sadd.s32 s21, s3  }
0x9d: {  	[timem:s7], [sflag:s22] =	dma.local [hbm:s5], s20  }
0x9e: {  	_ =	swait.ge [sflag:s22], s20  }
0x9f: {  	s4 =	ssub.s32 $0x0, s20;
	[sflag:s22] =	ssyncset.done $0x0  }
0xa0: {  	[sflag:s22] =	ssyncadd.s32 s4;
	_ =	sdelay $0x1  }
0xa1: {  	s23 =	simm.s32 $0x1B8B  }
0xa2: {  	_ =	swait.ge [sflag:s23], $0x1  }
0xa3: {  	[sflag:s23] =	ssyncset.done $0x0  }
0xa4: {  	s25 =	simm.s32 $0x1B8E;
	s24 =	sld [smem:$0x3FFE];
	[sflag:s23] =	ssyncadd.s32 $0xFFFFFFFF  }
0xa5: {  	s26 =	simm.s32 $execute0_lowered;
	[smem:$0x3FD2] =	sst s25  }
0xa6: {  	s5 =	sshll.u32 s26, $0x1;
	_ =	strace $0x80000046;
	[dreg:$0x1] =	wrdreg $0xFFFFFFFF  }
0xa7: {  	s28 =	simm.s32 $_size_execute0_lowered;
	s3 =	sadd.s32 s3, s5;
	[dreg:$0x0] =	wrdreg $0x0  }
0xa8: {  	s5 =	sshll.u32 s28, $0x1;
	[dreg:$0x2] =	wrdreg s3  }
0xa9: {  	[dreg:$0x3] =	wrdreg s5  }
0xaa: {  	[dreg:$0x4] =	wrdreg $0xC0  }
0xab: {  	_ =	task [dreg:s7], $0x5FFFF  }
0xac: {  	[dreg:$0x1] =	wrdreg $0xFFFFFFFF  }
0xad: {  	[dreg:$0x0] =	wrdreg $0x60  }
0xae: {  	[dreg:$0x2] =	wrdreg s2  }
0xaf: {  	[dreg:$0x3] =	wrdreg s24  }
0xb0: {  	[dreg:$0x4] =	wrdreg $0xA2000  }
0xb1: {  	[dreg:$0x5] =	wrdreg $0x1DA800  }
0xb2: {  	[dreg:$0x6] =	wrdreg $0x9  }
0xb3: {  	_ =	task.clear_ibuf [dreg:s7], $0x7FFFF;
	_ =	strace $0x90000046  }
0xb4: {  	s29 =	simm.s32 $0x9;
	_ =	strace $0x80000048  }
0xb5: {  	_ =	swait.ge [sflag:s29], $0x1  }
0xb6: {  	[sflag:s29] =	ssyncadd.s32 $0xFFFFFFFF  }
0xb7: {  	_ =	strace $0x90000048  }
0xb8: {  	_ =	sfence  }
0xb9: {  	s30 =	sld [smem:$0x0];
	_ =	sdelay $0x2  }
0xba: {  	s31 =	sshll.u32 s1, $0xD;
	s1 =	sshrl.u32 s1, $0x2  }
0xbb: {  	s3 =	sand.u32 $0x4000, s31;
	s1 =	sadd.s32 s1, s30  }
0xbc: {  	s0 =	sor.u32 s3, s0;
	s1 =	sshll.u32 s1, $0x11  }
0xbd: {  	s0 =	sor.u32 s1, s0  }
0xbe: {  	s0 =	sadd.s32 $0x8F2B, s0  }
0xbf: {  	[sflag:s0] =	ssyncadd.remote.s32 $0x1  }
0xc0: {  	_ =	sfence.sel $0xFFFF  }
0xc1: {  	[dreg:$0x0] =	wrdreg $0xFFFFFFFF;
	(pc) =	sbr.abs _section_cstart, $3  }
0xc2: {  	[dreg:$0x1] =	wrdreg $0xFFFFFFFF  }
0xc3: {  	_ =	task.clear_ibuf [dreg:s7], $0x2FFFF;
	_ =	strace $0x9FFFFFFF  }
0xc4: {  	(tm) =	ssettm $0x7FFFFFFF  }
0xc5: {  	_ =	shalt  }
tec
execute0_lowered:
.L_overlay_start_1:
0x0: {  	(tag) =	ssettag $0x1  }
0x1: {  	s0 =	srdreg.scid;
	s1 =	rddreg [dreg:$0x0]  }
0x2: {  	s13 =	stileid.u32;
	s6 =	rddreg [dreg:$0x1]  }
0x3: {  	s3 =	rddreg [dreg:$0x2];
	s8 =	smul.u32 $0x2800, s13  }
0x4: {  	s4 =	rddreg [dreg:$0x3];
	s10 =	smul.u32 $0x50, s13  }
0x5: {  	s5 =	simm.s32 $0x0;
	s28 =	simm.s32 $0x2800;
	s16 =	smul.u32 $0xA000, s13  }
0x6: {  	s29 =	simm.s32 $0x1;
	s31 =	simm.s32 $0x7980;
	s18 =	smul.u32 $0x140, s13  }
0x7: {  	s30 =	simm.s32 $0x2;
	s0 =	sand.u32 $0x1, s0;
	s21 =	smul.u32 $0x2710, s13  }
0x8: {  	[smem:$0x7FF] =	sst s5;
	s12 =	sadd.s32 $0x800, s6;
	s7 =	smul.u32 $0x138800, s0  }
0x9: {  	s15 =	ssub.s32 $0x8C, s13;
	s2 =	sshll.u32 s0, $0x4;
	s9 =	smul.u32 $0x2710, s0  }
0xa: {  	_ =	strace $0x80000047;
	s25 =	ssub.s32 $0x2, s0;
	s0 =	smul.u32 $0x27100, s0  }
0xb: {  	s2 =	sor.u32 s13, s2;
	s26 =	sshrl.u32 s25, $0x1;
	s22 =	sshrl.u32 s16, $0x2  }
0xc: {  	s2 =	smul.u32 $0x2710, s2;
	s7 =	sadd.s32 s8, s7;
	s24 =	sadd.s32 s10, s9  }
0xd: {  	s10 =	ssub.s32 s25, s26;
	s0 =	sadd.s32 s21, s0;
	s21 =	simm.s32 $0x7  }
0xe: {  	s7 =	sshrl.u32 s7, $0x3;
	s8 =	sshrl.u32 s24, $0x3;
	s23 =	sadd.s32 $0x230, s0  }
0xf: {  	s24 =	sadd.s32 $0x1E0, s0;
	s0 =	sadd.s32 $0x190, s0;
	s2 =	sshrl.u32 s2, $0x3  }
0x10: {  	s7 =	sadd.s32 s7, s6;
	s0 =	sshrl.u32 s0, $0x3;
	s11 =	sadd.s32 s2, s6  }
0x11: {  	s6 =	sadd.s32 s8, s6;
	s17 =	sadd.s32 s12, s2;
	s8 =	smax.u32 s10, $0x1  }
0x12: {  	s2 =	sshrl.u32 s18, $0x2;
	s18 =	sadd.s32 s0, s12;
	s26 =	sadd.s32 $0x14E00, s7  }
0x13: {  	s0 =	simm.s32 $0x4;
	s10 =	simm.s32 $0x6;
	[dreg:$0x7] =	wrdreg s17  }
0x14: {  	s14 =	sadd.s32 $0xA600, s11;
	s11 =	sshrl.u32 s15, $0x4;
	[dreg:$0xc] =	wrdreg s8  }
0x15: {  	s19 =	sadd.s32 $0x14, s17;
	s20 =	sadd.s32 $0x1E, s17;
	[dreg:$0x10] =	wrdreg s26  }
0x16: {  	s9 =	sadd.s32 $0x28, s17;
	s15 =	sadd.s32 s2, s4;
	[dreg:$0x5] =	wrdreg s14  }
0x17: {  	s2 =	sshrl.u32 s23, $0x3;
	s8 =	sshrl.u32 s24, $0x3;
	[dreg:$0x9] =	wrdreg s19  }
0x18: {  	s25 =	sadd.s32 $0x14400, s6;
	s23 =	simm.s32 $0xA180;
	[dreg:$0xa] =	wrdreg s20  }
0x19: {  	s24 =	simm.s32 $0x50;
	s26 =	simm.s32 $0x5180;
	[dreg:$0xb] =	wrdreg s9  }
0x1a: {  	s6 =	simm.s32 $0x3;
	s14 =	sadd.s32 $0xA, s17;
	[dreg:$0xf] =	wrdreg s25  }
0x1b: {  	s19 =	sadd.s32 s22, s3;
	s16 =	sadd.s32 s2, s12;
	[dreg:$0xe] =	wrdreg s15  }
0x1c: {  	s17 =	sadd.s32 s8, s12;
	s22 =	simm.s32 $0x2980;
	[dreg:$0x6] =	wrdreg s11  }
0x1d: {  	s25 =	simm.s32 $0x2780;
	s2 =	simm.s32 $0x2880;
	[dreg:$0x8] =	wrdreg s14  }
0x1e: {  	v0 =	vimm.f32 $0.0e+00;
	v1 =	vimm.f32 $1.000000000e+00;
	s9 =	simm.s32 $0x5;
	s14 =	simm.s32 $0x0;
	[dreg:$0xd] =	wrdreg s19  }
.LBB2_1:
0x1f: {  	[dreg:$0x11] =	wrdreg s14  }
0x20: {  	s7 =	rddreg [dreg:$0x5]  }
0x21: {  	[tilespmem:s5], [sflag:$0x7] =	stream.linear.gather [hbm4b:s7+s5], $0x2710, $0x38;
	[tilespmem:$0x1DCF8] =	vst v63  }
0x22: {  	_ =	swait.ge [sflag:s21], $0x2710  }
0x23: {  	[sflag:s21] =	ssyncset.done $0x0  }
0x24: {  	s8 =	simm.s32 $0x3C0;
	s7 =	simm.s32 $0x70;
	[sflag:s21] =	ssyncadd.s32 $0xFFFFD8F0  }
.LBB2_2:
0x25: {  	p0 =	sne.s32 s8, $0x9FC0;
	[tilespmem:s7+$0x2980] =	vst v0  }
0x26: {  	[tilespmem:s7+$0x2910] =	vst v0  }
0x27: {  	[tilespmem:s7+$0x2920] =	vst v0  }
.Ltmp0:
0x28: {  	[tilespmem:s7+$0x2930] =	vst v0;
	(pc) =	sbr.rel @p0 .LBB2_2-.Ltmp0, $4  }
0x29: {  	[tilespmem:s7+$0x2940] =	vst v0  }
0x2a: {  	[tilespmem:s7+$0x2950] =	vst v0  }
0x2b: {  	[tilespmem:s7+$0x2960] =	vst v0  }
0x2c: {  	[tilespmem:s7+$0x2970] =	vst v0;
	s7 =	sshra.s32 s8, $0x2;
	s8 =	sadd.s32 $0x200, s8  }
0x2d: {  	[tilespmem:s7+$0x2980] =	vst v0  }
0x2e: {  	[tilespmem:s7+$0x2910] =	vst v0  }
0x2f: {  	[tilespmem:s7+$0x2920] =	vst v0  }
0x30: {  	[tilespmem:s7+$0x2930] =	vst v0  }
0x31: {  	[tilespmem:s7+$0x2940] =	vst v0  }
0x32: {  	[tilespmem:s7+$0x2950] =	vst v0  }
0x33: {  	[tilespmem:s7+$0x2960] =	vst v0  }
0x34: {  	[tilespmem:s7+$0x2970] =	vst v0  }
0x35: {  	[tilespmem:$0xA180] =	vst v0  }
0x36: {  	[tilespmem:$0xA190] =	vst v0  }
0x37: {  	[tilespmem:$0xA1A0] =	vst v0  }
0x38: {  	[tilespmem:$0xA1B0] =	vst v0  }
0x39: {  	[tilespmem:$0xA1C0] =	vst v0  }
0x3a: {  	[spmem:s19] =	stream.linear.scatter [tilespmem:s22], [sflag:$0x7], $0x2800, $0x38;
	[tilespmem:$0x1DCF8] =	vst v63  }
0x3b: {  	p0 =	seq.s32 s11, $0x1;
	_ =	swait.ge [sflag:s21], $0x2800  }
.Ltmp1:
0x3c: {  	[sflag:s21] =	ssyncset.done $0x0;
	(pc) =	sbr.rel @p0 .LBB2_5-.Ltmp1, $4  }
0x3d: {  	[sflag:s21] =	ssyncadd.s32 $0xFFFFD800  }
0x3e: {  	[spmem:s15] =	stream.linear.scatter [tilespmem:s23], [sflag:$0x7], $0x50, $0x38;
	[tilespmem:$0x1DCF8] =	vst v63  }
0x3f: {  	s7 =	sadd.s32 $0xFFFFFFFF, s11;
	_ =	swait.ge [sflag:s21], $0x50  }
0x40: {  	s8 =	smov.u32 s19;
	s12 =	smov.u32 s15;
	[sflag:s21] =	ssyncset.done $0x0  }
.LBB2_4:
0x41: {  	[sflag:s21] =	ssyncadd.s32 $0xFFFFFFB0;
	s8 =	sadd.s32 $0x28000, s8;
	s12 =	sadd.s32 $0x500, s12  }
0x42: {  	[spmem:s8] =	stream.linear.scatter [tilespmem:s22], [sflag:$0x7], $0x2800, $0x38;
	[tilespmem:$0x1DCF8] =	vst v63  }
0x43: {  	p0 =	seq.s32 s7, $0x1;
	s7 =	sadd.s32 $0xFFFFFFFF, s7;
	_ =	swait.ge [sflag:s21], $0x2800  }
.Ltmp2:
0x44: {  	[sflag:s21] =	ssyncset.done $0x0;
	(pc) =	sbr.rel @!p0 .LBB2_4-.Ltmp2, $4  }
0x45: {  	[sflag:s21] =	ssyncadd.s32 $0xFFFFD800  }
0x46: {  	[spmem:s12] =	stream.linear.scatter [tilespmem:s23], [sflag:$0x7], $0x50, $0x38;
	[tilespmem:$0x1DCF8] =	vst v63  }
0x47: {  	_ =	swait.ge [sflag:s21], $0x50  }
0x48: {  	[sflag:s21] =	ssyncset.done $0x0  }
.LBB2_5:
0x49: {  	[sflag:s21] =	ssyncadd.s32 $0xFFFFFFB0  }
0x4a: {  	[tilespmem:$0xA180] =	vst v1  }
0x4b: {  	[tilespmem:$0xA190] =	vst v1  }
0x4c: {  	[tilespmem:$0xA1A0] =	vst v1  }
0x4d: {  	[tilespmem:$0xA1B0] =	vst v1  }
0x4e: {  	[tilespmem:$0xA1C0] =	vst v1  }
0x4f: {  	s7 =	simm.s32 $0x0;
	[bflag:$0x0] =	sbarrier.arrive $0xFFFF  }
0x50: {  	[tilespmem:s22], [sflag:$0x1] =	stream.indirect.gather [hbm4b:s1+s24], $0x80, s7, s24, $0xb8;
	[tilespmem:$0x1DCF8] =	vst v63  }
0x51: {  	s8 =	rddreg [dreg:$0x7]  }
0x52: {  	[tilespmem:s25], [sflag:$0x1] =	stream.linear.gather [hbm4b:s8+s7], $0x50, $0x38;
	[tilespmem:$0x1DCF8] =	vst v63  }
0x53: {  	_ = 	snop  }
0x54: {  	[tilespmem:s26], [sflag:$0x2] =	stream.indirect.gather [hbm4b:s1+s24], $0x80, s24, s24, $0xb8;
	[tilespmem:$0x1DCF8] =	vst v63  }
0x55: {  	s13 =	rddreg [dreg:$0x8]  }
0x56: {  	[tilespmem:s28], [sflag:$0x2] =	stream.linear.gather [hbm4b:s13+s7], $0x50, $0x38;
	[tilespmem:$0x1DCF8] =	vst v63  }
0x57: {  	_ =	swait.ge [sflag:s29], $0x2800  }
0x58: {  	[sflag:s29] =	ssyncset.done $0x0  }
0x59: {  	[sflag:s29] =	ssyncadd.s32 $0xFFFFD800  }
0x5a: {  	_ =	swait.ge [sflag:s29], $0x50  }
0x5b: {  	[sflag:s29] =	ssyncset.done $0x0  }
0x5c: {  	[sflag:s29] =	ssyncadd.s32 $0xFFFFFFB0  }
0x5d: {  	[spmem:s3] =	stream.indirect.scatter.add.f32 [tilespmem:s22], [sflag:$0x4], $0x80, s25, s24, $0xb8;
	[tilespmem:$0x1DCF8] =	vst v63  }
0x5e: {  	_ = 	snop  }
0x5f: {  	[spmem:s4] =	stream.indirect.scatter.add.f32 [tilespmem:s23], [sflag:$0x4], $0x1, s25, s24, $0xb8;
	[tilespmem:$0x1DCF8] =	vst v63  }
0x60: {  	s14 =	simm.s32 $0xA0  }
0x61: {  	[tilespmem:s31], [sflag:$0x3] =	stream.indirect.gather [hbm4b:s1+s24], $0x80, s14, s24, $0xb8;
	[tilespmem:$0x1DCF8] =	vst v63  }
0x62: {  	s20 =	rddreg [dreg:$0x9]  }
0x63: {  	[tilespmem:s2], [sflag:$0x3] =	stream.linear.gather [hbm4b:s20+s7], $0x50, $0x38;
	[tilespmem:$0x1DCF8] =	vst v63  }
0x64: {  	_ =	swait.ge [sflag:s30], $0x2800  }
0x65: {  	[sflag:s30] =	ssyncset.done $0x0  }
0x66: {  	[sflag:s30] =	ssyncadd.s32 $0xFFFFD800  }
0x67: {  	_ =	swait.ge [sflag:s30], $0x50  }
0x68: {  	[sflag:s30] =	ssyncset.done $0x0  }
0x69: {  	[sflag:s30] =	ssyncadd.s32 $0xFFFFFFB0  }
0x6a: {  	_ =	swait.ge [sflag:s0], $0x2800  }
0x6b: {  	[sflag:s0] =	ssyncset.done $0x0  }
0x6c: {  	[sflag:s0] =	ssyncadd.s32 $0xFFFFD800  }
0x6d: {  	_ =	swait.ge [sflag:s0], $0x50  }
0x6e: {  	[sflag:s0] =	ssyncset.done $0x0  }
0x6f: {  	s12 =	simm.s32 $0xF0;
	[sflag:s0] =	ssyncadd.s32 $0xFFFFFFB0  }
0x70: {  	[tilespmem:s22], [sflag:$0x1] =	stream.indirect.gather [hbm4b:s1+s24], $0x80, s12, s24, $0xb8;
	[tilespmem:$0x1DCF8] =	vst v63  }
0x71: {  	s13 =	rddreg [dreg:$0xa]  }
0x72: {  	[tilespmem:s25], [sflag:$0x1] =	stream.linear.gather [hbm4b:s13+s7], $0x50, $0x38;
	[tilespmem:$0x1DCF8] =	vst v63  }
0x73: {  	_ = 	snop  }
0x74: {  	[spmem:s3] =	stream.indirect.scatter.add.f32 [tilespmem:s26], [sflag:$0x5], $0x80, s28, s24, $0xb8;
	[tilespmem:$0x1DCF8] =	vst v63  }
0x75: {  	_ = 	snop  }
0x76: {  	[spmem:s4] =	stream.indirect.scatter.add.f32 [tilespmem:s23], [sflag:$0x5], $0x1, s28, s24, $0xb8;
	[tilespmem:$0x1DCF8] =	vst v63  }
0x77: {  	_ =	swait.ge [sflag:s6], $0x2800  }
0x78: {  	[sflag:s6] =	ssyncset.done $0x0  }
0x79: {  	[sflag:s6] =	ssyncadd.s32 $0xFFFFD800  }
0x7a: {  	_ =	swait.ge [sflag:s6], $0x50  }
0x7b: {  	[sflag:s6] =	ssyncset.done $0x0  }
0x7c: {  	[sflag:s6] =	ssyncadd.s32 $0xFFFFFFB0  }
0x7d: {  	_ =	swait.ge [sflag:s9], $0x2800  }
0x7e: {  	[sflag:s9] =	ssyncset.done $0x0  }
0x7f: {  	[sflag:s9] =	ssyncadd.s32 $0xFFFFD800  }
0x80: {  	_ =	swait.ge [sflag:s9], $0x50  }
0x81: {  	[sflag:s9] =	ssyncset.done $0x0  }
0x82: {  	s14 =	simm.s32 $0x140;
	[sflag:s9] =	ssyncadd.s32 $0xFFFFFFB0  }
0x83: {  	[tilespmem:s26], [sflag:$0x2] =	stream.indirect.gather [hbm4b:s1+s24], $0x80, s14, s24, $0xb8;
	[tilespmem:$0x1DCF8] =	vst v63  }
0x84: {  	s20 =	rddreg [dreg:$0xb]  }
0x85: {  	[tilespmem:s28], [sflag:$0x2] =	stream.linear.gather [hbm4b:s20+s7], $0x50, $0x38;
	[tilespmem:$0x1DCF8] =	vst v63  }
0x86: {  	_ = 	snop  }
0x87: {  	[spmem:s3] =	stream.indirect.scatter.add.f32 [tilespmem:s31], [sflag:$0x6], $0x80, s2, s24, $0xb8;
	[tilespmem:$0x1DCF8] =	vst v63  }
0x88: {  	_ = 	snop  }
0x89: {  	[spmem:s4] =	stream.indirect.scatter.add.f32 [tilespmem:s23], [sflag:$0x6], $0x1, s2, s24, $0xb8;
	[tilespmem:$0x1DCF8] =	vst v63  }
0x8a: {  	_ =	swait.ge [sflag:s10], $0x2800  }
0x8b: {  	[sflag:s10] =	ssyncset.done $0x0  }
0x8c: {  	[sflag:s10] =	ssyncadd.s32 $0xFFFFD800  }
0x8d: {  	_ =	swait.ge [sflag:s10], $0x50  }
0x8e: {  	[sflag:s10] =	ssyncset.done $0x0  }
0x8f: {  	s12 =	simm.s32 $0x190;
	[sflag:s10] =	ssyncadd.s32 $0xFFFFFFB0  }
0x90: {  	[tilespmem:s31], [sflag:$0x3] =	stream.indirect.gather [hbm4b:s1+s24], $0x80, s12, s24, $0xb8;
	[tilespmem:$0x1DCF8] =	vst v63  }
0x91: {  	s13 =	sadd.s32 $0x0, s18  }
0x92: {  	[tilespmem:s2], [sflag:$0x3] =	stream.linear.gather [hbm4b:s13+s5], $0x50, $0x38;
	[tilespmem:$0x1DCF8] =	vst v63  }
0x93: {  	_ =	swait.ge [sflag:s29], $0x2800  }
0x94: {  	[sflag:s29] =	ssyncset.done $0x0  }
0x95: {  	[sflag:s29] =	ssyncadd.s32 $0xFFFFD800  }
0x96: {  	_ =	swait.ge [sflag:s29], $0x50  }
0x97: {  	[sflag:s29] =	ssyncset.done $0x0  }
0x98: {  	[sflag:s29] =	ssyncadd.s32 $0xFFFFFFB0  }
0x99: {  	[spmem:s3] =	stream.indirect.scatter.add.f32 [tilespmem:s22], [sflag:$0x4], $0x80, s25, s24, $0xb8;
	[tilespmem:$0x1DCF8] =	vst v63  }
0x9a: {  	_ = 	snop  }
0x9b: {  	[spmem:s4] =	stream.indirect.scatter.add.f32 [tilespmem:s23], [sflag:$0x4], $0x1, s25, s24, $0xb8;
	[tilespmem:$0x1DCF8] =	vst v63  }
0x9c: {  	_ =	swait.ge [sflag:s30], $0x2800  }
0x9d: {  	[sflag:s30] =	ssyncset.done $0x0  }
0x9e: {  	[sflag:s30] =	ssyncadd.s32 $0xFFFFD800  }
0x9f: {  	_ =	swait.ge [sflag:s30], $0x50  }
0xa0: {  	[sflag:s30] =	ssyncset.done $0x0  }
0xa1: {  	[sflag:s30] =	ssyncadd.s32 $0xFFFFFFB0  }
0xa2: {  	_ =	swait.ge [sflag:s0], $0x2800  }
0xa3: {  	[sflag:s0] =	ssyncset.done $0x0  }
0xa4: {  	[sflag:s0] =	ssyncadd.s32 $0xFFFFD800  }
0xa5: {  	_ =	swait.ge [sflag:s0], $0x50  }
0xa6: {  	[sflag:s0] =	ssyncset.done $0x0  }
0xa7: {  	s14 =	simm.s32 $0x1E0;
	[sflag:s0] =	ssyncadd.s32 $0xFFFFFFB0  }
0xa8: {  	[tilespmem:s22], [sflag:$0x1] =	stream.indirect.gather [hbm4b:s1+s24], $0x80, s14, s24, $0xb8;
	[tilespmem:$0x1DCF8] =	vst v63  }
0xa9: {  	s20 =	sadd.s32 $0x0, s17  }
0xaa: {  	[tilespmem:s25], [sflag:$0x1] =	stream.linear.gather [hbm4b:s20+s5], $0x50, $0x38;
	[tilespmem:$0x1DCF8] =	vst v63  }
0xab: {  	_ = 	snop  }
0xac: {  	[spmem:s3] =	stream.indirect.scatter.add.f32 [tilespmem:s26], [sflag:$0x5], $0x80, s28, s24, $0xb8;
	[tilespmem:$0x1DCF8] =	vst v63  }
0xad: {  	_ = 	snop  }
0xae: {  	[spmem:s4] =	stream.indirect.scatter.add.f32 [tilespmem:s23], [sflag:$0x5], $0x1, s28, s24, $0xb8;
	[tilespmem:$0x1DCF8] =	vst v63  }
0xaf: {  	_ =	swait.ge [sflag:s6], $0x2800  }
0xb0: {  	[sflag:s6] =	ssyncset.done $0x0  }
0xb1: {  	[sflag:s6] =	ssyncadd.s32 $0xFFFFD800  }
0xb2: {  	_ =	swait.ge [sflag:s6], $0x50  }
0xb3: {  	[sflag:s6] =	ssyncset.done $0x0  }
0xb4: {  	[sflag:s6] =	ssyncadd.s32 $0xFFFFFFB0  }
0xb5: {  	[spmem:s3] =	stream.indirect.scatter.add.f32 [tilespmem:s31], [sflag:$0x6], $0x80, s2, s24, $0xb8;
	[tilespmem:$0x1DCF8] =	vst v63  }
0xb6: {  	_ = 	snop  }
0xb7: {  	[spmem:s4] =	stream.indirect.scatter.add.f32 [tilespmem:s23], [sflag:$0x6], $0x1, s2, s24, $0xb8;
	[tilespmem:$0x1DCF8] =	vst v63  }
0xb8: {  	_ =	swait.ge [sflag:s9], $0x2800  }
0xb9: {  	[sflag:s9] =	ssyncset.done $0x0  }
0xba: {  	[sflag:s9] =	ssyncadd.s32 $0xFFFFD800  }
0xbb: {  	_ =	swait.ge [sflag:s9], $0x50  }
0xbc: {  	s8 =	simm.s32 $0x230;
	s7 =	sadd.s32 $0x0, s16;
	[sflag:s9] =	ssyncset.done $0x0  }
0xbd: {  	s12 =	simm.s32 $0x1E;
	s13 =	simm.s32 $0x320;
	[sflag:s9] =	ssyncadd.s32 $0xFFFFFFB0  }
0xbe: {  	[tilespmem:s26], [sflag:$0x2] =	stream.indirect.gather [hbm4b:s1+s24], $0x80, s8, s24, $0xb8;
	[tilespmem:$0x1DCF8] =	vst v63  }
.LBB2_6:
0xbf: {  	[tilespmem:s28], [sflag:$0x2] =	stream.linear.gather [hbm4b:s7+s5], $0x50, $0x38;
	[tilespmem:$0x1DCF8] =	vst v63  }
0xc0: {  	s8 =	smov.u32 s12  }
0xc1: {  	p0 =	sne.s32 s12, $0x492;
	s12 =	sadd.s32 $0x1E, s12;
	_ =	swait.ge [sflag:s10], $0x2800  }
0xc2: {  	[sflag:s10] =	ssyncset.done $0x0  }
0xc3: {  	[sflag:s10] =	ssyncadd.s32 $0xFFFFD800  }
0xc4: {  	_ =	swait.ge [sflag:s10], $0x50  }
0xc5: {  	[sflag:s10] =	ssyncset.done $0x0  }
0xc6: {  	s7 =	sadd.s32 $0xFFFFFF60, s13;
	[sflag:s10] =	ssyncadd.s32 $0xFFFFFFB0  }
0xc7: {  	[tilespmem:s31], [sflag:$0x3] =	stream.indirect.gather [hbm4b:s1+s24], $0x80, s7, s24, $0xb8;
	[tilespmem:$0x1DCF8] =	vst v63  }
0xc8: {  	s7 =	sadd.s32 s8, s18  }
0xc9: {  	[tilespmem:s2], [sflag:$0x3] =	stream.linear.gather [hbm4b:s7+s5], $0x50, $0x38;
	[tilespmem:$0x1DCF8] =	vst v63  }
0xca: {  	_ =	swait.ge [sflag:s29], $0x2800  }
0xcb: {  	[sflag:s29] =	ssyncset.done $0x0  }
0xcc: {  	[sflag:s29] =	ssyncadd.s32 $0xFFFFD800  }
0xcd: {  	_ =	swait.ge [sflag:s29], $0x50  }
0xce: {  	[sflag:s29] =	ssyncset.done $0x0  }
0xcf: {  	[sflag:s29] =	ssyncadd.s32 $0xFFFFFFB0  }
0xd0: {  	[spmem:s3] =	stream.indirect.scatter.add.f32 [tilespmem:s22], [sflag:$0x4], $0x80, s25, s24, $0xb8;
	[tilespmem:$0x1DCF8] =	vst v63  }
0xd1: {  	_ = 	snop  }
0xd2: {  	[spmem:s4] =	stream.indirect.scatter.add.f32 [tilespmem:s23], [sflag:$0x4], $0x1, s25, s24, $0xb8;
	[tilespmem:$0x1DCF8] =	vst v63  }
0xd3: {  	_ =	swait.ge [sflag:s30], $0x2800  }
0xd4: {  	[sflag:s30] =	ssyncset.done $0x0  }
0xd5: {  	[sflag:s30] =	ssyncadd.s32 $0xFFFFD800  }
0xd6: {  	_ =	swait.ge [sflag:s30], $0x50  }
0xd7: {  	[sflag:s30] =	ssyncset.done $0x0  }
0xd8: {  	[sflag:s30] =	ssyncadd.s32 $0xFFFFFFB0  }
0xd9: {  	_ =	swait.ge [sflag:s0], $0x2800  }
0xda: {  	[sflag:s0] =	ssyncset.done $0x0  }
0xdb: {  	[sflag:s0] =	ssyncadd.s32 $0xFFFFD800  }
0xdc: {  	_ =	swait.ge [sflag:s0], $0x50  }
0xdd: {  	[sflag:s0] =	ssyncset.done $0x0  }
0xde: {  	s7 =	sadd.s32 $0xFFFFFFB0, s13;
	[sflag:s0] =	ssyncadd.s32 $0xFFFFFFB0  }
0xdf: {  	[tilespmem:s22], [sflag:$0x1] =	stream.indirect.gather [hbm4b:s1+s24], $0x80, s7, s24, $0xb8;
	[tilespmem:$0x1DCF8] =	vst v63  }
0xe0: {  	s7 =	sadd.s32 s8, s17  }
0xe1: {  	[tilespmem:s25], [sflag:$0x1] =	stream.linear.gather [hbm4b:s7+s5], $0x50, $0x38;
	[tilespmem:$0x1DCF8] =	vst v63  }
0xe2: {  	_ = 	snop  }
0xe3: {  	[spmem:s3] =	stream.indirect.scatter.add.f32 [tilespmem:s26], [sflag:$0x5], $0x80, s28, s24, $0xb8;
	[tilespmem:$0x1DCF8] =	vst v63  }
0xe4: {  	_ = 	snop  }
0xe5: {  	[spmem:s4] =	stream.indirect.scatter.add.f32 [tilespmem:s23], [sflag:$0x5], $0x1, s28, s24, $0xb8;
	[tilespmem:$0x1DCF8] =	vst v63  }
0xe6: {  	_ =	swait.ge [sflag:s6], $0x2800  }
0xe7: {  	[sflag:s6] =	ssyncset.done $0x0  }
0xe8: {  	[sflag:s6] =	ssyncadd.s32 $0xFFFFD800  }
0xe9: {  	_ =	swait.ge [sflag:s6], $0x50  }
0xea: {  	[sflag:s6] =	ssyncset.done $0x0  }
0xeb: {  	[sflag:s6] =	ssyncadd.s32 $0xFFFFFFB0  }
0xec: {  	[spmem:s3] =	stream.indirect.scatter.add.f32 [tilespmem:s31], [sflag:$0x6], $0x80, s2, s24, $0xb8;
	[tilespmem:$0x1DCF8] =	vst v63  }
0xed: {  	_ = 	snop  }
0xee: {  	[spmem:s4] =	stream.indirect.scatter.add.f32 [tilespmem:s23], [sflag:$0x6], $0x1, s2, s24, $0xb8;
	[tilespmem:$0x1DCF8] =	vst v63  }
0xef: {  	_ =	swait.ge [sflag:s9], $0x2800  }
0xf0: {  	[sflag:s9] =	ssyncset.done $0x0  }
0xf1: {  	[sflag:s9] =	ssyncadd.s32 $0xFFFFD800  }
.Ltmp3:
0xf2: {  	_ =	swait.ge [sflag:s9], $0x50;
	(pc) =	sbr.rel @p0 .LBB2_6-.Ltmp3, $4  }
0xf3: {  	[sflag:s9] =	ssyncset.done $0x0  }
0xf4: {  	[sflag:s9] =	ssyncadd.s32 $0xFFFFFFB0  }
0xf5: {  	[tilespmem:s26], [sflag:$0x2] =	stream.indirect.gather [hbm4b:s1+s24], $0x80, s13, s24, $0xb8;
	[tilespmem:$0x1DCF8] =	vst v63  }
0xf6: {  	s7 =	sadd.s32 s8, s16;
	s13 =	sadd.s32 $0xF0, s13  }
0xf7: {  	[tilespmem:s28], [sflag:$0x2] =	stream.linear.gather [hbm4b:s7+s5], $0x50, $0x38;
	[tilespmem:$0x1DCF8] =	vst v63  }
0xf8: {  	_ =	swait.ge [sflag:s10], $0x2800  }
0xf9: {  	[sflag:s10] =	ssyncset.done $0x0  }
0xfa: {  	[sflag:s10] =	ssyncadd.s32 $0xFFFFD800  }
0xfb: {  	_ =	swait.ge [sflag:s10], $0x50  }
0xfc: {  	[sflag:s10] =	ssyncset.done $0x0  }
0xfd: {  	[sflag:s10] =	ssyncadd.s32 $0xFFFFFFB0  }
0xfe: {  	_ =	swait.ge [sflag:s29], $0x2800  }
0xff: {  	[sflag:s29] =	ssyncset.done $0x0  }
0x100: {  	[sflag:s29] =	ssyncadd.s32 $0xFFFFD800  }
0x101: {  	_ =	swait.ge [sflag:s29], $0x50  }
0x102: {  	[sflag:s29] =	ssyncset.done $0x0  }
0x103: {  	[sflag:s29] =	ssyncadd.s32 $0xFFFFFFB0  }
0x104: {  	[spmem:s3] =	stream.indirect.scatter.add.f32 [tilespmem:s22], [sflag:$0x4], $0x80, s25, s24, $0xb8;
	[tilespmem:$0x1DCF8] =	vst v63  }
0x105: {  	_ = 	snop  }
0x106: {  	[spmem:s4] =	stream.indirect.scatter.add.f32 [tilespmem:s23], [sflag:$0x4], $0x1, s25, s24, $0xb8;
	[tilespmem:$0x1DCF8] =	vst v63  }
0x107: {  	_ =	swait.ge [sflag:s30], $0x2800  }
0x108: {  	[sflag:s30] =	ssyncset.done $0x0  }
0x109: {  	[sflag:s30] =	ssyncadd.s32 $0xFFFFD800  }
0x10a: {  	_ =	swait.ge [sflag:s30], $0x50  }
0x10b: {  	[sflag:s30] =	ssyncset.done $0x0  }
0x10c: {  	[sflag:s30] =	ssyncadd.s32 $0xFFFFFFB0  }
0x10d: {  	_ =	swait.ge [sflag:s0], $0x2800  }
0x10e: {  	[sflag:s0] =	ssyncset.done $0x0  }
0x10f: {  	[sflag:s0] =	ssyncadd.s32 $0xFFFFD800  }
0x110: {  	_ =	swait.ge [sflag:s0], $0x50  }
0x111: {  	[sflag:s0] =	ssyncset.done $0x0  }
0x112: {  	[sflag:s0] =	ssyncadd.s32 $0xFFFFFFB0  }
0x113: {  	[spmem:s3] =	stream.indirect.scatter.add.f32 [tilespmem:s26], [sflag:$0x5], $0x80, s28, s24, $0xb8;
	[tilespmem:$0x1DCF8] =	vst v63  }
0x114: {  	_ = 	snop  }
0x115: {  	[spmem:s4] =	stream.indirect.scatter.add.f32 [tilespmem:s23], [sflag:$0x5], $0x1, s28, s24, $0xb8;
	[tilespmem:$0x1DCF8] =	vst v63  }
0x116: {  	_ =	swait.ge [sflag:s9], $0x2800  }
0x117: {  	[sflag:s9] =	ssyncset.done $0x0  }
0x118: {  	p1 =	sne.s32 s11, $0x1;
	[sflag:s9] =	ssyncadd.s32 $0xFFFFD800  }
.Ltmp4:
0x119: {  	_ =	swait.ge [sflag:s9], $0x50;
	(pc) =	sbr.rel @!p1 .LBB2_8-.Ltmp4, $4  }
0x11a: {  	[sflag:s9] =	ssyncset.done $0x0  }
0x11b: {  	s20 =	sshrl.u32 s19, $0x3;
	[sflag:s9] =	ssyncadd.s32 $0xFFFFFFB0  }
0x11c: {  	s7 =	sadd.s32 $0xFFFFFFFF, s11;
	s8 =	stileid.u32;
	[bflag:$0x0] =	sbarrier.arrive $0xFFFF  }
0x11d: {  	s14 =	sadd.s32 $0x28000, s19;
	p0 =	por $0x0, $0x0;
	s8 =	sshll.u32 s8, $0x6  }
0x11e: {  	s12 =	sor.u32 $0x1C07, s8;
	s11 =	rddreg [dreg:$0x10]  }
0x11f: {  	[hbm:s11], [sflag:s12] =	dma.local [spmem:s20], $0x500  }
0x120: {  	_ =	swait.ge [sflag:s21], $0x500  }
0x121: {  	[sflag:s21] =	ssyncset.done $0x0  }
0x122: {  	[sflag:s21] =	ssyncadd.s32 $0xFFFFFB00  }
0x123: {  	[tilespmem:s23], [sflag:$0x7] =	stream.linear.gather [spmem:s15], $0x50, $0x38;
	[tilespmem:$0x1DCF8] =	vst v63  }
0x124: {  	p1 =	sne.s32 s7, $0x1;
	s7 =	sadd.s32 $0xFFFFFFFF, s7;
	_ =	swait.ge [sflag:s21], $0x50  }
.Ltmp5:
0x125: {  	p0 =	por $0x1, $0x1;
	[sflag:s21] =	ssyncset.done $0x0;
	(pc) =	sbr.rel @!p1 .LBB2_10-.Ltmp5, $4  }
0x126: {  	s20 =	sshrl.u32 s14, $0x3;
	s19 =	rddreg [dreg:$0xf];
	[sflag:s21] =	ssyncadd.s32 $0xFFFFFFB0  }
0x127: {  	[hbm4b:s19+s5] =	stream.linear.scatter [tilespmem:s23], [sflag:$0x7], $0x50, $0x38;
	[tilespmem:$0x1DCF8] =	vst v63  }
0x128: {  	s13 =	sadd.s32 $0x5000, s11;
	s14 =	sadd.s32 $0x28000, s14;
	_ =	swait.ge [sflag:s21], $0x50  }
0x129: {  	s15 =	sadd.s32 $0x500, s15;
	s12 =	sadd.s32 $0xA0, s19;
	[sflag:s21] =	ssyncset.done $0x0  }
.LBB2_11:
0x12a: {  	s19 =	sshrl.u32 s14, $0x3;
	s11 =	sor.u32 $0x1C07, s8;
	[sflag:s21] =	ssyncadd.s32 $0xFFFFFFB0  }
0x12b: {  	[hbm:s13], [sflag:s11] =	dma.local [spmem:s20], $0x500  }
0x12c: {  	p1 =	sne.s32 s7, $0x1;
	s7 =	sadd.s32 $0xFFFFFFFF, s7;
	_ =	swait.ge [sflag:s21], $0x500  }
0x12d: {  	s20 =	smov.u32 s19;
	[sflag:s21] =	ssyncset.done $0x0  }
0x12e: {  	[sflag:s21] =	ssyncadd.s32 $0xFFFFFB00  }
0x12f: {  	[tilespmem:s23], [sflag:$0x7] =	stream.linear.gather [spmem:s15], $0x50, $0x38;
	[tilespmem:$0x1DCF8] =	vst v63  }
0x130: {  	_ =	swait.ge [sflag:s21], $0x50  }
.Ltmp6:
0x131: {  	[sflag:s21] =	ssyncset.done $0x0;
	(pc) =	sbr.rel @p1 .LBB2_11-.Ltmp6, $4  }
0x132: {  	s13 =	sadd.s32 $0x5000, s13;
	[sflag:s21] =	ssyncadd.s32 $0xFFFFFFB0  }
0x133: {  	[hbm4b:s12+s5] =	stream.linear.scatter [tilespmem:s23], [sflag:$0x7], $0x50, $0x38;
	[tilespmem:$0x1DCF8] =	vst v63  }
0x134: {  	s15 =	sadd.s32 $0x500, s15;
	s12 =	sadd.s32 $0xA0, s12;
	_ =	swait.ge [sflag:s21], $0x50  }
0x135: {  	s14 =	sadd.s32 $0x28000, s14;
	[sflag:s21] =	ssyncset.done $0x0  }
0x136: {  	s11 =	rddreg [dreg:$0x6]  }
0x137: {  	s19 =	rddreg [dreg:$0xd]  }
0x138: {  	s14 =	rddreg [dreg:$0x11]  }
.LBB2_13:
0x139: {  	s7 =	sor.u32 $0x1C07, s8;
	[sflag:s21] =	ssyncadd.s32 @p0 $0xFFFFFFB0  }
0x13a: {  	[hbm:s13], [sflag:s7] =	dma.local [spmem:s20], $0x500  }
0x13b: {  	_ =	swait.ge [sflag:s21], $0x500  }
0x13c: {  	[sflag:s21] =	ssyncset.done $0x0  }
0x13d: {  	[sflag:s21] =	ssyncadd.s32 $0xFFFFFB00  }
0x13e: {  	[tilespmem:s23], [sflag:$0x7] =	stream.linear.gather [spmem:s15], $0x50, $0x38;
	[tilespmem:$0x1DCF8] =	vst v63  }
0x13f: {  	_ =	swait.ge [sflag:s21], $0x50  }
0x140: {  	[sflag:s21] =	ssyncset.done $0x0  }
0x141: {  	[sflag:s21] =	ssyncadd.s32 $0xFFFFFFB0  }
0x142: {  	[hbm4b:s12+s5] =	stream.linear.scatter [tilespmem:s23], [sflag:$0x7], $0x50, $0x38;
	[tilespmem:$0x1DCF8] =	vst v63  }
0x143: {  	_ =	swait.ge [sflag:s21], $0x50  }
0x144: {  	s14 =	sadd.s32 $0x1, s14;
	s20 =	rddreg [dreg:$0xc]  }
0x145: {  	p0 =	sne.s32 s14, s20  }
.Ltmp7:
0x146: {  	_ = 	snop;
	(pc) =	sbr.rel @p0 .LBB2_1-.Ltmp7, $4  }
.Ltmp8:
0x147: {  	_ = 	snop;
	(pc) =	sbr.rel @!p0 .LBB2_14-.Ltmp8, $4  }
0x148: {  	_ = 	snop  }
0x149: {  	[sflag:s21] =	ssyncset.done $0x0  }
0x14a: {  	s15 =	rddreg [dreg:$0xe];
	[sflag:s21] =	ssyncadd.s32 $0xFFFFFFB0  }
0x14b: {  	_ = 	snop  }
.LBB2_8:
.Ltmp9:
0x14c: {  	(pc) =	sbr.rel .LBB2_13-.Ltmp9, $4  }
0x14d: {  	_ = 	snop  }
0x14e: {  	s13 =	rddreg [dreg:$0x10]  }
0x14f: {  	s12 =	rddreg [dreg:$0xf]  }
0x150: {  	s14 =	rddreg [dreg:$0x11]  }
.LBB2_10:
.Ltmp10:
0x151: {  	(pc) =	sbr.rel .LBB2_13-.Ltmp10, $4  }
0x152: {  	_ = 	snop  }
0x153: {  	s11 =	rddreg [dreg:$0x6]  }
0x154: {  	s19 =	rddreg [dreg:$0xd]  }
0x155: {  	s14 =	rddreg [dreg:$0x11]  }
.LBB2_14:
0x156: {  	_ =	sfence.sel $0x180000  }
0x157: {  	[bflag:$0x0] =	sbarrier.arrive $0xFFFF  }
0x158: {  	_ =	strace $0x90000047  }
0x159: {  	s0 =	stileid.u32;
	[bflag:$0x2] =	sbarrier.arrive $0xFFFF  }
0x15a: {  	p0 =	sne.s32 s0, $0x0;
	s0 =	rddreg [dreg:$0x4]  }
0x15b: {  	s0 =	sadd.s32 @!p0 $0x100000, s0  }
0x15c: {  	[sflag:s0] =	ssyncadd.tile.s32 @!p0 $0x1;
	_ =	shalt  }
.Lfunc_end2:
_tile_overlayer_lowered:
.L_overlay_start_2:
0x15d: {  	(tag) =	ssettag $0x2  }
0x15e: {  	s0 =	rddreg [dreg:$0x0];
	s2 =	stileid.u32  }
0x15f: {  	s1 =	rddreg [dreg:$0x1];
	p0 =	sne.s32 s2, $0x0  }
0x160: {  	s3 =	rddreg [dreg:$0x2];
	[bflag:$0x3] =	sbarrier.arrive $0xFFFF;
	s2 =	simm.s32 @!p0 $0x1C07  }
0x161: {  	[timem:s3], [sflag:s2] =	dma.local @!p0 [hbm:s0], s1  }
0x162: {  	s0 =	simm.s32 @!p0 $0x7  }
0x163: {  	_ =	swait.ge @!p0 [sflag:s0], s1  }
0x164: {  	s1 =	ssub.s32 @!p0 $0x0, s1;
	[sflag:s0] =	ssyncset.done @!p0 $0x0  }
0x165: {  	[sflag:s0] =	ssyncadd.s32 @!p0 s1  }
0x166: {  	[bflag:$0x3] =	sbarrier.arrive $0xFFFF  }
0x167: {  	_ =	shalt  }

</sc_bundles>
